<compile_context>
chip_gen: v7x
topology: tpu7x:2x2x1
jax: 0.10.2.dev20260603
libtpu: 0.0.44.dev20260713+nightly
codegen_flags: <defaults>
</compile_context>

<pallas_src>
import functools

import jax
import jax.numpy as jnp
from jax import lax
from jax.experimental import pallas as pl
from jax.experimental.pallas import tpu as pltpu
from jax.experimental.pallas import tpu_sc as plsc

_B, _N, _D = 32, 1024, 64
_C = 1024


_BB = 4


def _argmax_body(x_ref, emb_ref, idx_ref):
    et = emb_ref[...]
    en_t = et / jnp.maximum(
        jnp.sqrt(jnp.sum(et * et, axis=0, keepdims=True)), 1e-12)
    for b in range(_BB):
        xt = x_ref[b]
        n = jnp.maximum(
            jnp.sqrt(jnp.sum(xt * xt, axis=0, keepdims=True)), 1e-12)
        xn_t = xt / n
        dist = lax.dot_general(
            en_t, xn_t, (((0,), (0,)), ((), ())),
            preferred_element_type=jnp.float32)
        idx_ref[0, b] = jnp.argmax(dist, axis=0).astype(jnp.int32)


def _tc_argmax(x, emb_t):
    xt = jnp.swapaxes(x, 1, 2)
    out = pl.pallas_call(
        _argmax_body,
        grid=(_B // _BB,),
        in_specs=[
            pl.BlockSpec((_BB, _D, _N), lambda i: (i, 0, 0)),
            pl.BlockSpec((_D, _C), lambda i: (0, 0)),
        ],
        out_specs=pl.BlockSpec((1, _BB, _N), lambda i: (i, 0, 0)),
        out_shape=jax.ShapeDtypeStruct((_B // _BB, _BB, _N), jnp.int32),
    )(xt, emb_t)
    return out.reshape(_B, _N)


_NW = 32
_TOT = _B * _N
_BPW = _TOT // _NW
_CH = 128
_NCH = _BPW // _CH
_DP = 128


@functools.cache
def _make_sc_gather():
    mesh = plsc.VectorSubcoreMesh(
        core_axis_name="c", subcore_axis_name="s",
        num_cores=2, num_subcores=16)

    @functools.partial(
        pl.kernel,
        mesh=mesh,
        out_type=jax.ShapeDtypeStruct((_TOT, _DP), jnp.float32),
        scratch_types=[
            pltpu.VMEM((_NCH, _CH), jnp.int32),
            pltpu.VMEM((3, _CH, _DP), jnp.float32),
            pltpu.SemaphoreType.DMA,
            pltpu.SemaphoreType.DMA,
        ],
    )
    def gather(table_hbm, idx_hbm, out_hbm, idx_v, rows_v, gsem, wsem):
        wid = lax.axis_index("s") * 2 + lax.axis_index("c")
        base = wid * _BPW
        pltpu.sync_copy(idx_hbm.at[wid], idx_v)
        gets = [None] * 3
        puts = [None] * 3
        gets[0] = pltpu.async_copy(
            table_hbm.at[idx_v.at[0]], rows_v.at[0], gsem)
        for j in range(_NCH):
            b = j % 3
            if j + 1 < _NCH:
                bn = (j + 1) % 3
                if puts[bn] is not None:
                    puts[bn].wait()
                    puts[bn] = None
                gets[bn] = pltpu.async_copy(
                    table_hbm.at[idx_v.at[j + 1]], rows_v.at[bn], gsem)
            gets[b].wait()
            puts[b] = pltpu.async_copy(
                rows_v.at[b], out_hbm.at[pl.ds(base + j * _CH, _CH)], wsem)
        for p in puts:
            if p is not None:
                p.wait()

    return gather


def kernel(x, embed):
    x = x.astype(jnp.float32)
    emb_t = jnp.swapaxes(embed[0], 0, 1)
    embed_ind = _tc_argmax(x, emb_t)
    idx3 = embed_ind.reshape(_NW, _NCH, _CH)
    table = jnp.pad(embed[0], ((0, 0), (0, _DP - _D)))
    quant = _make_sc_gather()(table, idx3)
    return quant[:, :_D].reshape(_B, _N, _D), embed_ind

# --- scband reference (transcript-rebuilt; emitter-appended) ---
"""Pipeline reference for scband-cosine-sim-codebook-60395830116470 (READ-ONLY COPY).

The authoritative reference and input builder live on the scoring server;
editing this copy changes nothing except your own understanding.
"""

import jax, jax.numpy as jnp
import numpy as np


def l2norm(t):
    n = jnp.linalg.norm(t, axis=-1, keepdims=True)
    return t / jnp.clip(n, 1e-12)


def setup_inputs(seed: int = 0) -> dict:
    key = jax.random.key(seed)
    k1, k2 = jax.random.split(key)
    x = jax.random.normal(k1, (32, 1024, 64), dtype=jnp.float32)
    # codebook: kaiming-uniform init followed by l2norm (as in torch __init__)
    bound = float(np.sqrt(3.0) * np.sqrt(2.0 / 64.0))
    embed = jax.random.uniform(k2, (1, 1024, 64), minval=-bound, maxval=bound, dtype=jnp.float32)
    embed = l2norm(embed)
    return {"x": x, "embed": embed}


def reference(x, embed):
    # eval-mode forward of CosineSimCodebook (no EMA buffer updates),
    # sample_codebook_temp=0.0 -> argmax sampling (deterministic)
    x = x.astype(jnp.float32)
    needs_codebook_dim = x.ndim < 4
    if needs_codebook_dim:
        x4 = x[None, ...]  # add codebook (h) dim -> [1, B, N, d]
    else:
        x4 = x
    h = x4.shape[0]
    d = x4.shape[-1]
    lead_shape = x4.shape[:-1]  # (h, B, N)
    flatten = x4.reshape(h, -1, d)
    flatten = l2norm(flatten)
    embed_n = l2norm(embed)
    # dist: h n d, h c d -> h n c
    dist = jnp.einsum('hnd,hcd->hnc', flatten, embed_n)
    embed_ind = jnp.argmax(dist, axis=-1)  # [h, n]
    embed_ind = embed_ind.reshape(lead_shape)  # [h, B, N]
    # batched_embedding: gather from the raw (unnormalized) stored codebook
    quantize = jax.vmap(lambda e, i: jnp.take(e, i, axis=0))(embed, embed_ind)  # [h, B, N, d]
    if needs_codebook_dim:
        quantize = quantize[0]
        embed_ind = embed_ind[0]
    return quantize, embed_ind

if __name__ == "__main__":
    import jax
    _d = setup_inputs()
    print(jax.jit(kernel)(*tuple(_d.values())))

</pallas_src>

<mosaic_0001>
#map = affine_map<(d0, d1) -> (0, 0)>
#map1 = affine_map<(d0, d1) -> (0, 0, 0)>
module attributes {stable_mosaic.version = 14 : i64} {
  func.func @gather(%arg0: i32, %arg1: i32, %arg2: memref<1024x128xf32, #tpu.memory_space<hbm>>, %arg3: memref<32x8x128xi32, #tpu.memory_space<hbm>>, %arg4: memref<32768x128xf32, #tpu.memory_space<hbm>>, %arg5: memref<8x128xi32, #tpu.memory_space<vmem>>, %arg6: memref<3x128x128xf32, #tpu.memory_space<vmem>>, %arg7: memref<!tpu.dma_semaphore, #tpu.memory_space<semaphore_mem>>, %arg8: memref<!tpu.dma_semaphore, #tpu.memory_space<semaphore_mem>>) attributes {dimension_semantics = [#tpu.dimension_semantics<core_parallel>, #tpu.dimension_semantics<subcore_parallel>], iteration_bounds = array<i64: 2, 16>, scalar_prefetch = 0 : i64, scratch_operands = 4 : i64, tpu.core_type = #tpu.core_type<sc_vector_subcore>, window_params = [{transform_indices = #map}, {transform_indices = #map1}, {transform_indices = #map}]} {
    %mul3A = arith.constant 2 : i32
    %mul3A_0 = arith.muli %arg1, %mul3A : i32
    %add3A = arith.addi %mul3A_0, %arg0 : i32
    %mul3A_1 = arith.constant 1024 : i32
    %mul3A_2 = arith.muli %add3A, %mul3A_1 : i32
    "tpu.region"() ({
      %run_scoped3A = tpu.sem_alloc : memref<!tpu.dma_semaphore, #tpu.memory_space<semaphore_mem>>
      %dma_start3A_417 = arith.constant 0 : i32
      %dma_start3A_418 = arith.constant 0 : i32
      %dma_start3A_419 = tpu.memref_slice %arg3[%add3A, %dma_start3A_417, %dma_start3A_418] : memref<32x8x128xi32, #tpu.memory_space<hbm>> -> memref<1x8x128xi32, #tpu.memory_space<hbm>>
      %dma_start3A_420 = tpu.memref_squeeze %dma_start3A_419 : memref<1x8x128xi32, #tpu.memory_space<hbm>> -> memref<8x128xi32, #tpu.memory_space<hbm>>
      %dma_start3A_421 = arith.constant 0 : i32
      %dma_start3A_422 = arith.constant 0 : i32
      %dma_start3A_423 = tpu.memref_slice %arg3[%add3A, %dma_start3A_421, %dma_start3A_422] : memref<32x8x128xi32, #tpu.memory_space<hbm>> -> memref<1x8x128xi32, #tpu.memory_space<hbm>>
      %dma_start3A_424 = tpu.memref_squeeze %dma_start3A_423 : memref<1x8x128xi32, #tpu.memory_space<hbm>> -> memref<8x128xi32, #tpu.memory_space<hbm>>
      tpu.enqueue_dma source(%dma_start3A_424 : memref<8x128xi32, #tpu.memory_space<hbm>>) target(%arg5 : memref<8x128xi32, #tpu.memory_space<vmem>>) target_semaphore(%run_scoped3A : memref<!tpu.dma_semaphore, #tpu.memory_space<semaphore_mem>>)
      %dma_wait3A_425 = arith.constant 0 : i32
      %dma_wait3A_426 = arith.constant 0 : i32
      %dma_wait3A_427 = tpu.memref_slice %arg3[%add3A, %dma_wait3A_425, %dma_wait3A_426] : memref<32x8x128xi32, #tpu.memory_space<hbm>> -> memref<1x8x128xi32, #tpu.memory_space<hbm>>
      %dma_wait3A_428 = tpu.memref_squeeze %dma_wait3A_427 : memref<1x8x128xi32, #tpu.memory_space<hbm>> -> memref<8x128xi32, #tpu.memory_space<hbm>>
      %dma_wait3A_429 = arith.constant 0 : i32
      %dma_wait3A_430 = arith.constant 0 : i32
      %dma_wait3A_431 = tpu.memref_slice %arg3[%add3A, %dma_wait3A_429, %dma_wait3A_430] : memref<32x8x128xi32, #tpu.memory_space<hbm>> -> memref<1x8x128xi32, #tpu.memory_space<hbm>>
      %dma_wait3A_432 = tpu.memref_squeeze %dma_wait3A_431 : memref<1x8x128xi32, #tpu.memory_space<hbm>> -> memref<8x128xi32, #tpu.memory_space<hbm>>
      tpu.wait_dma2 semaphore(%run_scoped3A : memref<!tpu.dma_semaphore, #tpu.memory_space<semaphore_mem>>) src(%dma_wait3A_432 : memref<8x128xi32, #tpu.memory_space<hbm>>) dst(%arg5 : memref<8x128xi32, #tpu.memory_space<vmem>>)
      tpu.yield
    }) : () -> ()
    %dma_start3A = arith.constant 0 : i32
    %dma_start3A_3 = arith.constant 0 : i32
    %dma_start3A_4 = arith.constant 0 : i32
    %dma_start3A_5 = arith.constant 0 : i32
    %dma_start3A_6 = tpu.memref_slice %arg6[%dma_start3A_3, %dma_start3A_4, %dma_start3A_5] : memref<3x128x128xf32, #tpu.memory_space<vmem>> -> memref<1x128x128xf32, #tpu.memory_space<vmem>>
    %dma_start3A_7 = tpu.memref_squeeze %dma_start3A_6 : memref<1x128x128xf32, #tpu.memory_space<vmem>> -> memref<128x128xf32, #tpu.memory_space<vmem>>
    %dma_start3A_8 = arith.constant 0 : i32
    %dma_start3A_9 = tpu.memref_slice %arg5[%dma_start3A, %dma_start3A_8] : memref<8x128xi32, #tpu.memory_space<vmem>> -> memref<1x128xi32, #tpu.memory_space<vmem>>
    %dma_start3A_10 = tpu.memref_squeeze %dma_start3A_9 : memref<1x128xi32, #tpu.memory_space<vmem>> -> memref<128xi32, #tpu.memory_space<vmem>>
    %dma_start3A_11 = arith.constant 0 : i32
    %dma_start3A_12 = arith.constant 0 : i32
    %dma_start3A_13 = tpu.memref_slice %arg2[%dma_start3A_11, %dma_start3A_12] : memref<1024x128xf32, #tpu.memory_space<hbm>> -> memref<1024x128xf32, #tpu.memory_space<hbm>>
    tpu.enqueue_indirect_dma source(%dma_start3A_13 : memref<1024x128xf32, #tpu.memory_space<hbm>>) target(%dma_start3A_7 : memref<128x128xf32, #tpu.memory_space<vmem>>) offsets(%dma_start3A_10 : memref<128xi32, #tpu.memory_space<vmem>>) semaphore(%arg7 : memref<!tpu.dma_semaphore, #tpu.memory_space<semaphore_mem>>)
    %dma_start3A_14 = arith.constant 1 : i32
    %dma_start3A_15 = arith.constant 1 : i32
    %dma_start3A_16 = arith.constant 0 : i32
    %dma_start3A_17 = arith.constant 0 : i32
    %dma_start3A_18 = tpu.memref_slice %arg6[%dma_start3A_15, %dma_start3A_16, %dma_start3A_17] : memref<3x128x128xf32, #tpu.memory_space<vmem>> -> memref<1x128x128xf32, #tpu.memory_space<vmem>>
    %dma_start3A_19 = tpu.memref_squeeze %dma_start3A_18 : memref<1x128x128xf32, #tpu.memory_space<vmem>> -> memref<128x128xf32, #tpu.memory_space<vmem>>
    %dma_start3A_20 = arith.constant 0 : i32
    %dma_start3A_21 = tpu.memref_slice %arg5[%dma_start3A_14, %dma_start3A_20] : memref<8x128xi32, #tpu.memory_space<vmem>> -> memref<1x128xi32, #tpu.memory_space<vmem>>
    %dma_start3A_22 = tpu.memref_squeeze %dma_start3A_21 : memref<1x128xi32, #tpu.memory_space<vmem>> -> memref<128xi32, #tpu.memory_space<vmem>>
    %dma_start3A_23 = arith.constant 0 : i32
    %dma_start3A_24 = arith.constant 0 : i32
    %dma_start3A_25 = tpu.memref_slice %arg2[%dma_start3A_23, %dma_start3A_24] : memref<1024x128xf32, #tpu.memory_space<hbm>> -> memref<1024x128xf32, #tpu.memory_space<hbm>>
    tpu.enqueue_indirect_dma source(%dma_start3A_25 : memref<1024x128xf32, #tpu.memory_space<hbm>>) target(%dma_start3A_19 : memref<128x128xf32, #tpu.memory_space<vmem>>) offsets(%dma_start3A_22 : memref<128xi32, #tpu.memory_space<vmem>>) semaphore(%arg7 : memref<!tpu.dma_semaphore, #tpu.memory_space<semaphore_mem>>)
    %dma_wait3A = arith.constant 0 : i32
    %dma_wait3A_26 = arith.constant 0 : i32
    %dma_wait3A_27 = arith.constant 0 : i32
    %dma_wait3A_28 = arith.constant 0 : i32
    %dma_wait3A_29 = tpu.memref_slice %arg6[%dma_wait3A_26, %dma_wait3A_27, %dma_wait3A_28] : memref<3x128x128xf32, #tpu.memory_space<vmem>> -> memref<1x128x128xf32, #tpu.memory_space<vmem>>
    %dma_wait3A_30 = tpu.memref_squeeze %dma_wait3A_29 : memref<1x128x128xf32, #tpu.memory_space<vmem>> -> memref<128x128xf32, #tpu.memory_space<vmem>>
    %dma_wait3A_31 = arith.constant 0 : i32
    %dma_wait3A_32 = tpu.memref_slice %arg5[%dma_wait3A, %dma_wait3A_31] : memref<8x128xi32, #tpu.memory_space<vmem>> -> memref<1x128xi32, #tpu.memory_space<vmem>>
    %dma_wait3A_33 = tpu.memref_squeeze %dma_wait3A_32 : memref<1x128xi32, #tpu.memory_space<vmem>> -> memref<128xi32, #tpu.memory_space<vmem>>
    %dma_wait3A_34 = arith.constant 0 : i32
    %dma_wait3A_35 = arith.constant 0 : i32
    %dma_wait3A_36 = tpu.memref_slice %arg2[%dma_wait3A_34, %dma_wait3A_35] : memref<1024x128xf32, #tpu.memory_space<hbm>> -> memref<1024x128xf32, #tpu.memory_space<hbm>>
    tpu.wait_indirect_dma semaphore(%arg7 : memref<!tpu.dma_semaphore, #tpu.memory_space<semaphore_mem>>) src(%dma_wait3A_36 : memref<1024x128xf32, #tpu.memory_space<hbm>>) dst(%dma_wait3A_30 : memref<128x128xf32, #tpu.memory_space<vmem>>)
    %add3A_37 = arith.constant 0 : i32
    %add3A_38 = arith.addi %mul3A_2, %add3A_37 : i32
    %dma_start3A_39 = arith.constant 0 : i32
    %dma_start3A_40 = arith.constant 0 : i32
    %dma_start3A_41 = arith.constant 0 : i32
    %dma_start3A_42 = tpu.memref_slice %arg6[%dma_start3A_39, %dma_start3A_40, %dma_start3A_41] : memref<3x128x128xf32, #tpu.memory_space<vmem>> -> memref<1x128x128xf32, #tpu.memory_space<vmem>>
    %dma_start3A_43 = tpu.memref_squeeze %dma_start3A_42 : memref<1x128x128xf32, #tpu.memory_space<vmem>> -> memref<128x128xf32, #tpu.memory_space<vmem>>
    %dma_start3A_44 = arith.constant 0 : i32
    %dma_start3A_45 = tpu.memref_slice %arg4[%add3A_38, %dma_start3A_44] : memref<32768x128xf32, #tpu.memory_space<hbm>> -> memref<128x128xf32, #tpu.memory_space<hbm>>
    %dma_start3A_46 = arith.constant 0 : i32
    %dma_start3A_47 = tpu.memref_slice %arg4[%add3A_38, %dma_start3A_46] : memref<32768x128xf32, #tpu.memory_space<hbm>> -> memref<128x128xf32, #tpu.memory_space<hbm>>
    %dma_start3A_48 = arith.constant 0 : i32
    %dma_start3A_49 = arith.constant 0 : i32
    %dma_start3A_50 = tpu.memref_slice %arg6[%dma_start3A_39, %dma_start3A_48, %dma_start3A_49] : memref<3x128x128xf32, #tpu.memory_space<vmem>> -> memref<1x128x128xf32, #tpu.memory_space<vmem>>
    %dma_start3A_51 = tpu.memref_squeeze %dma_start3A_50 : memref<1x128x128xf32, #tpu.memory_space<vmem>> -> memref<128x128xf32, #tpu.memory_space<vmem>>
    tpu.enqueue_dma source(%dma_start3A_51 : memref<128x128xf32, #tpu.memory_space<vmem>>) target(%dma_start3A_47 : memref<128x128xf32, #tpu.memory_space<hbm>>) target_semaphore(%arg8 : memref<!tpu.dma_semaphore, #tpu.memory_space<semaphore_mem>>)
    %dma_start3A_52 = arith.constant 2 : i32
    %dma_start3A_53 = arith.constant 2 : i32
    %dma_start3A_54 = arith.constant 0 : i32
    %dma_start3A_55 = arith.constant 0 : i32
    %dma_start3A_56 = tpu.memref_slice %arg6[%dma_start3A_53, %dma_start3A_54, %dma_start3A_55] : memref<3x128x128xf32, #tpu.memory_space<vmem>> -> memref<1x128x128xf32, #tpu.memory_space<vmem>>
    %dma_start3A_57 = tpu.memref_squeeze %dma_start3A_56 : memref<1x128x128xf32, #tpu.memory_space<vmem>> -> memref<128x128xf32, #tpu.memory_space<vmem>>
    %dma_start3A_58 = arith.constant 0 : i32
    %dma_start3A_59 = tpu.memref_slice %arg5[%dma_start3A_52, %dma_start3A_58] : memref<8x128xi32, #tpu.memory_space<vmem>> -> memref<1x128xi32, #tpu.memory_space<vmem>>
    %dma_start3A_60 = tpu.memref_squeeze %dma_start3A_59 : memref<1x128xi32, #tpu.memory_space<vmem>> -> memref<128xi32, #tpu.memory_space<vmem>>
    %dma_start3A_61 = arith.constant 0 : i32
    %dma_start3A_62 = arith.constant 0 : i32
    %dma_start3A_63 = tpu.memref_slice %arg2[%dma_start3A_61, %dma_start3A_62] : memref<1024x128xf32, #tpu.memory_space<hbm>> -> memref<1024x128xf32, #tpu.memory_space<hbm>>
    tpu.enqueue_indirect_dma source(%dma_start3A_63 : memref<1024x128xf32, #tpu.memory_space<hbm>>) target(%dma_start3A_57 : memref<128x128xf32, #tpu.memory_space<vmem>>) offsets(%dma_start3A_60 : memref<128xi32, #tpu.memory_space<vmem>>) semaphore(%arg7 : memref<!tpu.dma_semaphore, #tpu.memory_space<semaphore_mem>>)
    %dma_wait3A_64 = arith.constant 1 : i32
    %dma_wait3A_65 = arith.constant 1 : i32
    %dma_wait3A_66 = arith.constant 0 : i32
    %dma_wait3A_67 = arith.constant 0 : i32
    %dma_wait3A_68 = tpu.memref_slice %arg6[%dma_wait3A_65, %dma_wait3A_66, %dma_wait3A_67] : memref<3x128x128xf32, #tpu.memory_space<vmem>> -> memref<1x128x128xf32, #tpu.memory_space<vmem>>
    %dma_wait3A_69 = tpu.memref_squeeze %dma_wait3A_68 : memref<1x128x128xf32, #tpu.memory_space<vmem>> -> memref<128x128xf32, #tpu.memory_space<vmem>>
    %dma_wait3A_70 = arith.constant 0 : i32
    %dma_wait3A_71 = tpu.memref_slice %arg5[%dma_wait3A_64, %dma_wait3A_70] : memref<8x128xi32, #tpu.memory_space<vmem>> -> memref<1x128xi32, #tpu.memory_space<vmem>>
    %dma_wait3A_72 = tpu.memref_squeeze %dma_wait3A_71 : memref<1x128xi32, #tpu.memory_space<vmem>> -> memref<128xi32, #tpu.memory_space<vmem>>
    %dma_wait3A_73 = arith.constant 0 : i32
    %dma_wait3A_74 = arith.constant 0 : i32
    %dma_wait3A_75 = tpu.memref_slice %arg2[%dma_wait3A_73, %dma_wait3A_74] : memref<1024x128xf32, #tpu.memory_space<hbm>> -> memref<1024x128xf32, #tpu.memory_space<hbm>>
    tpu.wait_indirect_dma semaphore(%arg7 : memref<!tpu.dma_semaphore, #tpu.memory_space<semaphore_mem>>) src(%dma_wait3A_75 : memref<1024x128xf32, #tpu.memory_space<hbm>>) dst(%dma_wait3A_69 : memref<128x128xf32, #tpu.memory_space<vmem>>)
    %add3A_76 = arith.constant 128 : i32
    %add3A_77 = arith.addi %mul3A_2, %add3A_76 : i32
    %dma_start3A_78 = arith.constant 1 : i32
    %dma_start3A_79 = arith.constant 0 : i32
    %dma_start3A_80 = arith.constant 0 : i32
    %dma_start3A_81 = tpu.memref_slice %arg6[%dma_start3A_78, %dma_start3A_79, %dma_start3A_80] : memref<3x128x128xf32, #tpu.memory_space<vmem>> -> memref<1x128x128xf32, #tpu.memory_space<vmem>>
    %dma_start3A_82 = tpu.memref_squeeze %dma_start3A_81 : memref<1x128x128xf32, #tpu.memory_space<vmem>> -> memref<128x128xf32, #tpu.memory_space<vmem>>
    %dma_start3A_83 = arith.constant 0 : i32
    %dma_start3A_84 = tpu.memref_slice %arg4[%add3A_77, %dma_start3A_83] : memref<32768x128xf32, #tpu.memory_space<hbm>> -> memref<128x128xf32, #tpu.memory_space<hbm>>
    %dma_start3A_85 = arith.constant 0 : i32
    %dma_start3A_86 = tpu.memref_slice %arg4[%add3A_77, %dma_start3A_85] : memref<32768x128xf32, #tpu.memory_space<hbm>> -> memref<128x128xf32, #tpu.memory_space<hbm>>
    %dma_start3A_87 = arith.constant 0 : i32
    %dma_start3A_88 = arith.constant 0 : i32
    %dma_start3A_89 = tpu.memref_slice %arg6[%dma_start3A_78, %dma_start3A_87, %dma_start3A_88] : memref<3x128x128xf32, #tpu.memory_space<vmem>> -> memref<1x128x128xf32, #tpu.memory_space<vmem>>
    %dma_start3A_90 = tpu.memref_squeeze %dma_start3A_89 : memref<1x128x128xf32, #tpu.memory_space<vmem>> -> memref<128x128xf32, #tpu.memory_space<vmem>>
    tpu.enqueue_dma source(%dma_start3A_90 : memref<128x128xf32, #tpu.memory_space<vmem>>) target(%dma_start3A_86 : memref<128x128xf32, #tpu.memory_space<hbm>>) target_semaphore(%arg8 : memref<!tpu.dma_semaphore, #tpu.memory_space<semaphore_mem>>)
    %dma_wait3A_91 = arith.constant 0 : i32
    %dma_wait3A_92 = arith.constant 0 : i32
    %dma_wait3A_93 = arith.constant 0 : i32
    %dma_wait3A_94 = tpu.memref_slice %arg6[%dma_wait3A_91, %dma_wait3A_92, %dma_wait3A_93] : memref<3x128x128xf32, #tpu.memory_space<vmem>> -> memref<1x128x128xf32, #tpu.memory_space<vmem>>
    %dma_wait3A_95 = tpu.memref_squeeze %dma_wait3A_94 : memref<1x128x128xf32, #tpu.memory_space<vmem>> -> memref<128x128xf32, #tpu.memory_space<vmem>>
    %dma_wait3A_96 = arith.constant 0 : i32
    %dma_wait3A_97 = tpu.memref_slice %arg4[%add3A_38, %dma_wait3A_96] : memref<32768x128xf32, #tpu.memory_space<hbm>> -> memref<128x128xf32, #tpu.memory_space<hbm>>
    %dma_wait3A_98 = arith.constant 0 : i32
    %dma_wait3A_99 = tpu.memref_slice %arg4[%add3A_38, %dma_wait3A_98] : memref<32768x128xf32, #tpu.memory_space<hbm>> -> memref<128x128xf32, #tpu.memory_space<hbm>>
    %dma_wait3A_100 = arith.constant 0 : i32
    %dma_wait3A_101 = arith.constant 0 : i32
    %dma_wait3A_102 = tpu.memref_slice %arg6[%dma_wait3A_91, %dma_wait3A_100, %dma_wait3A_101] : memref<3x128x128xf32, #tpu.memory_space<vmem>> -> memref<1x128x128xf32, #tpu.memory_space<vmem>>
    %dma_wait3A_103 = tpu.memref_squeeze %dma_wait3A_102 : memref<1x128x128xf32, #tpu.memory_space<vmem>> -> memref<128x128xf32, #tpu.memory_space<vmem>>
    tpu.wait_dma2 semaphore(%arg8 : memref<!tpu.dma_semaphore, #tpu.memory_space<semaphore_mem>>) src(%dma_wait3A_103 : memref<128x128xf32, #tpu.memory_space<vmem>>) dst(%dma_wait3A_99 : memref<128x128xf32, #tpu.memory_space<hbm>>)
    %dma_start3A_104 = arith.constant 3 : i32
    %dma_start3A_105 = arith.constant 0 : i32
    %dma_start3A_106 = arith.constant 0 : i32
    %dma_start3A_107 = arith.constant 0 : i32
    %dma_start3A_108 = tpu.memref_slice %arg6[%dma_start3A_105, %dma_start3A_106, %dma_start3A_107] : memref<3x128x128xf32, #tpu.memory_space<vmem>> -> memref<1x128x128xf32, #tpu.memory_space<vmem>>
    %dma_start3A_109 = tpu.memref_squeeze %dma_start3A_108 : memref<1x128x128xf32, #tpu.memory_space<vmem>> -> memref<128x128xf32, #tpu.memory_space<vmem>>
    %dma_start3A_110 = arith.constant 0 : i32
    %dma_start3A_111 = tpu.memref_slice %arg5[%dma_start3A_104, %dma_start3A_110] : memref<8x128xi32, #tpu.memory_space<vmem>> -> memref<1x128xi32, #tpu.memory_space<vmem>>
    %dma_start3A_112 = tpu.memref_squeeze %dma_start3A_111 : memref<1x128xi32, #tpu.memory_space<vmem>> -> memref<128xi32, #tpu.memory_space<vmem>>
    %dma_start3A_113 = arith.constant 0 : i32
    %dma_start3A_114 = arith.constant 0 : i32
    %dma_start3A_115 = tpu.memref_slice %arg2[%dma_start3A_113, %dma_start3A_114] : memref<1024x128xf32, #tpu.memory_space<hbm>> -> memref<1024x128xf32, #tpu.memory_space<hbm>>
    tpu.enqueue_indirect_dma source(%dma_start3A_115 : memref<1024x128xf32, #tpu.memory_space<hbm>>) target(%dma_start3A_109 : memref<128x128xf32, #tpu.memory_space<vmem>>) offsets(%dma_start3A_112 : memref<128xi32, #tpu.memory_space<vmem>>) semaphore(%arg7 : memref<!tpu.dma_semaphore, #tpu.memory_space<semaphore_mem>>)
    %dma_wait3A_116 = arith.constant 2 : i32
    %dma_wait3A_117 = arith.constant 2 : i32
    %dma_wait3A_118 = arith.constant 0 : i32
    %dma_wait3A_119 = arith.constant 0 : i32
    %dma_wait3A_120 = tpu.memref_slice %arg6[%dma_wait3A_117, %dma_wait3A_118, %dma_wait3A_119] : memref<3x128x128xf32, #tpu.memory_space<vmem>> -> memref<1x128x128xf32, #tpu.memory_space<vmem>>
    %dma_wait3A_121 = tpu.memref_squeeze %dma_wait3A_120 : memref<1x128x128xf32, #tpu.memory_space<vmem>> -> memref<128x128xf32, #tpu.memory_space<vmem>>
    %dma_wait3A_122 = arith.constant 0 : i32
    %dma_wait3A_123 = tpu.memref_slice %arg5[%dma_wait3A_116, %dma_wait3A_122] : memref<8x128xi32, #tpu.memory_space<vmem>> -> memref<1x128xi32, #tpu.memory_space<vmem>>
    %dma_wait3A_124 = tpu.memref_squeeze %dma_wait3A_123 : memref<1x128xi32, #tpu.memory_space<vmem>> -> memref<128xi32, #tpu.memory_space<vmem>>
    %dma_wait3A_125 = arith.constant 0 : i32
    %dma_wait3A_126 = arith.constant 0 : i32
    %dma_wait3A_127 = tpu.memref_slice %arg2[%dma_wait3A_125, %dma_wait3A_126] : memref<1024x128xf32, #tpu.memory_space<hbm>> -> memref<1024x128xf32, #tpu.memory_space<hbm>>
    tpu.wait_indirect_dma semaphore(%arg7 : memref<!tpu.dma_semaphore, #tpu.memory_space<semaphore_mem>>) src(%dma_wait3A_127 : memref<1024x128xf32, #tpu.memory_space<hbm>>) dst(%dma_wait3A_121 : memref<128x128xf32, #tpu.memory_space<vmem>>)
    %add3A_128 = arith.constant 256 : i32
    %add3A_129 = arith.addi %mul3A_2, %add3A_128 : i32
    %dma_start3A_130 = arith.constant 2 : i32
    %dma_start3A_131 = arith.constant 0 : i32
    %dma_start3A_132 = arith.constant 0 : i32
    %dma_start3A_133 = tpu.memref_slice %arg6[%dma_start3A_130, %dma_start3A_131, %dma_start3A_132] : memref<3x128x128xf32, #tpu.memory_space<vmem>> -> memref<1x128x128xf32, #tpu.memory_space<vmem>>
    %dma_start3A_134 = tpu.memref_squeeze %dma_start3A_133 : memref<1x128x128xf32, #tpu.memory_space<vmem>> -> memref<128x128xf32, #tpu.memory_space<vmem>>
    %dma_start3A_135 = arith.constant 0 : i32
    %dma_start3A_136 = tpu.memref_slice %arg4[%add3A_129, %dma_start3A_135] : memref<32768x128xf32, #tpu.memory_space<hbm>> -> memref<128x128xf32, #tpu.memory_space<hbm>>
    %dma_start3A_137 = arith.constant 0 : i32
    %dma_start3A_138 = tpu.memref_slice %arg4[%add3A_129, %dma_start3A_137] : memref<32768x128xf32, #tpu.memory_space<hbm>> -> memref<128x128xf32, #tpu.memory_space<hbm>>
    %dma_start3A_139 = arith.constant 0 : i32
    %dma_start3A_140 = arith.constant 0 : i32
    %dma_start3A_141 = tpu.memref_slice %arg6[%dma_start3A_130, %dma_start3A_139, %dma_start3A_140] : memref<3x128x128xf32, #tpu.memory_space<vmem>> -> memref<1x128x128xf32, #tpu.memory_space<vmem>>
    %dma_start3A_142 = tpu.memref_squeeze %dma_start3A_141 : memref<1x128x128xf32, #tpu.memory_space<vmem>> -> memref<128x128xf32, #tpu.memory_space<vmem>>
    tpu.enqueue_dma source(%dma_start3A_142 : memref<128x128xf32, #tpu.memory_space<vmem>>) target(%dma_start3A_138 : memref<128x128xf32, #tpu.memory_space<hbm>>) target_semaphore(%arg8 : memref<!tpu.dma_semaphore, #tpu.memory_space<semaphore_mem>>)
    %dma_wait3A_143 = arith.constant 1 : i32
    %dma_wait3A_144 = arith.constant 0 : i32
    %dma_wait3A_145 = arith.constant 0 : i32
    %dma_wait3A_146 = tpu.memref_slice %arg6[%dma_wait3A_143, %dma_wait3A_144, %dma_wait3A_145] : memref<3x128x128xf32, #tpu.memory_space<vmem>> -> memref<1x128x128xf32, #tpu.memory_space<vmem>>
    %dma_wait3A_147 = tpu.memref_squeeze %dma_wait3A_146 : memref<1x128x128xf32, #tpu.memory_space<vmem>> -> memref<128x128xf32, #tpu.memory_space<vmem>>
    %dma_wait3A_148 = arith.constant 0 : i32
    %dma_wait3A_149 = tpu.memref_slice %arg4[%add3A_77, %dma_wait3A_148] : memref<32768x128xf32, #tpu.memory_space<hbm>> -> memref<128x128xf32, #tpu.memory_space<hbm>>
    %dma_wait3A_150 = arith.constant 0 : i32
    %dma_wait3A_151 = tpu.memref_slice %arg4[%add3A_77, %dma_wait3A_150] : memref<32768x128xf32, #tpu.memory_space<hbm>> -> memref<128x128xf32, #tpu.memory_space<hbm>>
    %dma_wait3A_152 = arith.constant 0 : i32
    %dma_wait3A_153 = arith.constant 0 : i32
    %dma_wait3A_154 = tpu.memref_slice %arg6[%dma_wait3A_143, %dma_wait3A_152, %dma_wait3A_153] : memref<3x128x128xf32, #tpu.memory_space<vmem>> -> memref<1x128x128xf32, #tpu.memory_space<vmem>>
    %dma_wait3A_155 = tpu.memref_squeeze %dma_wait3A_154 : memref<1x128x128xf32, #tpu.memory_space<vmem>> -> memref<128x128xf32, #tpu.memory_space<vmem>>
    tpu.wait_dma2 semaphore(%arg8 : memref<!tpu.dma_semaphore, #tpu.memory_space<semaphore_mem>>) src(%dma_wait3A_155 : memref<128x128xf32, #tpu.memory_space<vmem>>) dst(%dma_wait3A_151 : memref<128x128xf32, #tpu.memory_space<hbm>>)
    %dma_start3A_156 = arith.constant 4 : i32
    %dma_start3A_157 = arith.constant 1 : i32
    %dma_start3A_158 = arith.constant 0 : i32
    %dma_start3A_159 = arith.constant 0 : i32
    %dma_start3A_160 = tpu.memref_slice %arg6[%dma_start3A_157, %dma_start3A_158, %dma_start3A_159] : memref<3x128x128xf32, #tpu.memory_space<vmem>> -> memref<1x128x128xf32, #tpu.memory_space<vmem>>
    %dma_start3A_161 = tpu.memref_squeeze %dma_start3A_160 : memref<1x128x128xf32, #tpu.memory_space<vmem>> -> memref<128x128xf32, #tpu.memory_space<vmem>>
    %dma_start3A_162 = arith.constant 0 : i32
    %dma_start3A_163 = tpu.memref_slice %arg5[%dma_start3A_156, %dma_start3A_162] : memref<8x128xi32, #tpu.memory_space<vmem>> -> memref<1x128xi32, #tpu.memory_space<vmem>>
    %dma_start3A_164 = tpu.memref_squeeze %dma_start3A_163 : memref<1x128xi32, #tpu.memory_space<vmem>> -> memref<128xi32, #tpu.memory_space<vmem>>
    %dma_start3A_165 = arith.constant 0 : i32
    %dma_start3A_166 = arith.constant 0 : i32
    %dma_start3A_167 = tpu.memref_slice %arg2[%dma_start3A_165, %dma_start3A_166] : memref<1024x128xf32, #tpu.memory_space<hbm>> -> memref<1024x128xf32, #tpu.memory_space<hbm>>
    tpu.enqueue_indirect_dma source(%dma_start3A_167 : memref<1024x128xf32, #tpu.memory_space<hbm>>) target(%dma_start3A_161 : memref<128x128xf32, #tpu.memory_space<vmem>>) offsets(%dma_start3A_164 : memref<128xi32, #tpu.memory_space<vmem>>) semaphore(%arg7 : memref<!tpu.dma_semaphore, #tpu.memory_space<semaphore_mem>>)
    %dma_wait3A_168 = arith.constant 3 : i32
    %dma_wait3A_169 = arith.constant 0 : i32
    %dma_wait3A_170 = arith.constant 0 : i32
    %dma_wait3A_171 = arith.constant 0 : i32
    %dma_wait3A_172 = tpu.memref_slice %arg6[%dma_wait3A_169, %dma_wait3A_170, %dma_wait3A_171] : memref<3x128x128xf32, #tpu.memory_space<vmem>> -> memref<1x128x128xf32, #tpu.memory_space<vmem>>
    %dma_wait3A_173 = tpu.memref_squeeze %dma_wait3A_172 : memref<1x128x128xf32, #tpu.memory_space<vmem>> -> memref<128x128xf32, #tpu.memory_space<vmem>>
    %dma_wait3A_174 = arith.constant 0 : i32
    %dma_wait3A_175 = tpu.memref_slice %arg5[%dma_wait3A_168, %dma_wait3A_174] : memref<8x128xi32, #tpu.memory_space<vmem>> -> memref<1x128xi32, #tpu.memory_space<vmem>>
    %dma_wait3A_176 = tpu.memref_squeeze %dma_wait3A_175 : memref<1x128xi32, #tpu.memory_space<vmem>> -> memref<128xi32, #tpu.memory_space<vmem>>
    %dma_wait3A_177 = arith.constant 0 : i32
    %dma_wait3A_178 = arith.constant 0 : i32
    %dma_wait3A_179 = tpu.memref_slice %arg2[%dma_wait3A_177, %dma_wait3A_178] : memref<1024x128xf32, #tpu.memory_space<hbm>> -> memref<1024x128xf32, #tpu.memory_space<hbm>>
    tpu.wait_indirect_dma semaphore(%arg7 : memref<!tpu.dma_semaphore, #tpu.memory_space<semaphore_mem>>) src(%dma_wait3A_179 : memref<1024x128xf32, #tpu.memory_space<hbm>>) dst(%dma_wait3A_173 : memref<128x128xf32, #tpu.memory_space<vmem>>)
    %add3A_180 = arith.constant 384 : i32
    %add3A_181 = arith.addi %mul3A_2, %add3A_180 : i32
    %dma_start3A_182 = arith.constant 0 : i32
    %dma_start3A_183 = arith.constant 0 : i32
    %dma_start3A_184 = arith.constant 0 : i32
    %dma_start3A_185 = tpu.memref_slice %arg6[%dma_start3A_182, %dma_start3A_183, %dma_start3A_184] : memref<3x128x128xf32, #tpu.memory_space<vmem>> -> memref<1x128x128xf32, #tpu.memory_space<vmem>>
    %dma_start3A_186 = tpu.memref_squeeze %dma_start3A_185 : memref<1x128x128xf32, #tpu.memory_space<vmem>> -> memref<128x128xf32, #tpu.memory_space<vmem>>
    %dma_start3A_187 = arith.constant 0 : i32
    %dma_start3A_188 = tpu.memref_slice %arg4[%add3A_181, %dma_start3A_187] : memref<32768x128xf32, #tpu.memory_space<hbm>> -> memref<128x128xf32, #tpu.memory_space<hbm>>
    %dma_start3A_189 = arith.constant 0 : i32
    %dma_start3A_190 = tpu.memref_slice %arg4[%add3A_181, %dma_start3A_189] : memref<32768x128xf32, #tpu.memory_space<hbm>> -> memref<128x128xf32, #tpu.memory_space<hbm>>
    %dma_start3A_191 = arith.constant 0 : i32
    %dma_start3A_192 = arith.constant 0 : i32
    %dma_start3A_193 = tpu.memref_slice %arg6[%dma_start3A_182, %dma_start3A_191, %dma_start3A_192] : memref<3x128x128xf32, #tpu.memory_space<vmem>> -> memref<1x128x128xf32, #tpu.memory_space<vmem>>
    %dma_start3A_194 = tpu.memref_squeeze %dma_start3A_193 : memref<1x128x128xf32, #tpu.memory_space<vmem>> -> memref<128x128xf32, #tpu.memory_space<vmem>>
    tpu.enqueue_dma source(%dma_start3A_194 : memref<128x128xf32, #tpu.memory_space<vmem>>) target(%dma_start3A_190 : memref<128x128xf32, #tpu.memory_space<hbm>>) target_semaphore(%arg8 : memref<!tpu.dma_semaphore, #tpu.memory_space<semaphore_mem>>)
    %dma_wait3A_195 = arith.constant 2 : i32
    %dma_wait3A_196 = arith.constant 0 : i32
    %dma_wait3A_197 = arith.constant 0 : i32
    %dma_wait3A_198 = tpu.memref_slice %arg6[%dma_wait3A_195, %dma_wait3A_196, %dma_wait3A_197] : memref<3x128x128xf32, #tpu.memory_space<vmem>> -> memref<1x128x128xf32, #tpu.memory_space<vmem>>
    %dma_wait3A_199 = tpu.memref_squeeze %dma_wait3A_198 : memref<1x128x128xf32, #tpu.memory_space<vmem>> -> memref<128x128xf32, #tpu.memory_space<vmem>>
    %dma_wait3A_200 = arith.constant 0 : i32
    %dma_wait3A_201 = tpu.memref_slice %arg4[%add3A_129, %dma_wait3A_200] : memref<32768x128xf32, #tpu.memory_space<hbm>> -> memref<128x128xf32, #tpu.memory_space<hbm>>
    %dma_wait3A_202 = arith.constant 0 : i32
    %dma_wait3A_203 = tpu.memref_slice %arg4[%add3A_129, %dma_wait3A_202] : memref<32768x128xf32, #tpu.memory_space<hbm>> -> memref<128x128xf32, #tpu.memory_space<hbm>>
    %dma_wait3A_204 = arith.constant 0 : i32
    %dma_wait3A_205 = arith.constant 0 : i32
    %dma_wait3A_206 = tpu.memref_slice %arg6[%dma_wait3A_195, %dma_wait3A_204, %dma_wait3A_205] : memref<3x128x128xf32, #tpu.memory_space<vmem>> -> memref<1x128x128xf32, #tpu.memory_space<vmem>>
    %dma_wait3A_207 = tpu.memref_squeeze %dma_wait3A_206 : memref<1x128x128xf32, #tpu.memory_space<vmem>> -> memref<128x128xf32, #tpu.memory_space<vmem>>
    tpu.wait_dma2 semaphore(%arg8 : memref<!tpu.dma_semaphore, #tpu.memory_space<semaphore_mem>>) src(%dma_wait3A_207 : memref<128x128xf32, #tpu.memory_space<vmem>>) dst(%dma_wait3A_203 : memref<128x128xf32, #tpu.memory_space<hbm>>)
    %dma_start3A_208 = arith.constant 5 : i32
    %dma_start3A_209 = arith.constant 2 : i32
    %dma_start3A_210 = arith.constant 0 : i32
    %dma_start3A_211 = arith.constant 0 : i32
    %dma_start3A_212 = tpu.memref_slice %arg6[%dma_start3A_209, %dma_start3A_210, %dma_start3A_211] : memref<3x128x128xf32, #tpu.memory_space<vmem>> -> memref<1x128x128xf32, #tpu.memory_space<vmem>>
    %dma_start3A_213 = tpu.memref_squeeze %dma_start3A_212 : memref<1x128x128xf32, #tpu.memory_space<vmem>> -> memref<128x128xf32, #tpu.memory_space<vmem>>
    %dma_start3A_214 = arith.constant 0 : i32
    %dma_start3A_215 = tpu.memref_slice %arg5[%dma_start3A_208, %dma_start3A_214] : memref<8x128xi32, #tpu.memory_space<vmem>> -> memref<1x128xi32, #tpu.memory_space<vmem>>
    %dma_start3A_216 = tpu.memref_squeeze %dma_start3A_215 : memref<1x128xi32, #tpu.memory_space<vmem>> -> memref<128xi32, #tpu.memory_space<vmem>>
    %dma_start3A_217 = arith.constant 0 : i32
    %dma_start3A_218 = arith.constant 0 : i32
    %dma_start3A_219 = tpu.memref_slice %arg2[%dma_start3A_217, %dma_start3A_218] : memref<1024x128xf32, #tpu.memory_space<hbm>> -> memref<1024x128xf32, #tpu.memory_space<hbm>>
    tpu.enqueue_indirect_dma source(%dma_start3A_219 : memref<1024x128xf32, #tpu.memory_space<hbm>>) target(%dma_start3A_213 : memref<128x128xf32, #tpu.memory_space<vmem>>) offsets(%dma_start3A_216 : memref<128xi32, #tpu.memory_space<vmem>>) semaphore(%arg7 : memref<!tpu.dma_semaphore, #tpu.memory_space<semaphore_mem>>)
    %dma_wait3A_220 = arith.constant 4 : i32
    %dma_wait3A_221 = arith.constant 1 : i32
    %dma_wait3A_222 = arith.constant 0 : i32
    %dma_wait3A_223 = arith.constant 0 : i32
    %dma_wait3A_224 = tpu.memref_slice %arg6[%dma_wait3A_221, %dma_wait3A_222, %dma_wait3A_223] : memref<3x128x128xf32, #tpu.memory_space<vmem>> -> memref<1x128x128xf32, #tpu.memory_space<vmem>>
    %dma_wait3A_225 = tpu.memref_squeeze %dma_wait3A_224 : memref<1x128x128xf32, #tpu.memory_space<vmem>> -> memref<128x128xf32, #tpu.memory_space<vmem>>
    %dma_wait3A_226 = arith.constant 0 : i32
    %dma_wait3A_227 = tpu.memref_slice %arg5[%dma_wait3A_220, %dma_wait3A_226] : memref<8x128xi32, #tpu.memory_space<vmem>> -> memref<1x128xi32, #tpu.memory_space<vmem>>
    %dma_wait3A_228 = tpu.memref_squeeze %dma_wait3A_227 : memref<1x128xi32, #tpu.memory_space<vmem>> -> memref<128xi32, #tpu.memory_space<vmem>>
    %dma_wait3A_229 = arith.constant 0 : i32
    %dma_wait3A_230 = arith.constant 0 : i32
    %dma_wait3A_231 = tpu.memref_slice %arg2[%dma_wait3A_229, %dma_wait3A_230] : memref<1024x128xf32, #tpu.memory_space<hbm>> -> memref<1024x128xf32, #tpu.memory_space<hbm>>
    tpu.wait_indirect_dma semaphore(%arg7 : memref<!tpu.dma_semaphore, #tpu.memory_space<semaphore_mem>>) src(%dma_wait3A_231 : memref<1024x128xf32, #tpu.memory_space<hbm>>) dst(%dma_wait3A_225 : memref<128x128xf32, #tpu.memory_space<vmem>>)
    %add3A_232 = arith.constant 512 : i32
    %add3A_233 = arith.addi %mul3A_2, %add3A_232 : i32
    %dma_start3A_234 = arith.constant 1 : i32
    %dma_start3A_235 = arith.constant 0 : i32
    %dma_start3A_236 = arith.constant 0 : i32
    %dma_start3A_237 = tpu.memref_slice %arg6[%dma_start3A_234, %dma_start3A_235, %dma_start3A_236] : memref<3x128x128xf32, #tpu.memory_space<vmem>> -> memref<1x128x128xf32, #tpu.memory_space<vmem>>
    %dma_start3A_238 = tpu.memref_squeeze %dma_start3A_237 : memref<1x128x128xf32, #tpu.memory_space<vmem>> -> memref<128x128xf32, #tpu.memory_space<vmem>>
    %dma_start3A_239 = arith.constant 0 : i32
    %dma_start3A_240 = tpu.memref_slice %arg4[%add3A_233, %dma_start3A_239] : memref<32768x128xf32, #tpu.memory_space<hbm>> -> memref<128x128xf32, #tpu.memory_space<hbm>>
    %dma_start3A_241 = arith.constant 0 : i32
    %dma_start3A_242 = tpu.memref_slice %arg4[%add3A_233, %dma_start3A_241] : memref<32768x128xf32, #tpu.memory_space<hbm>> -> memref<128x128xf32, #tpu.memory_space<hbm>>
    %dma_start3A_243 = arith.constant 0 : i32
    %dma_start3A_244 = arith.constant 0 : i32
    %dma_start3A_245 = tpu.memref_slice %arg6[%dma_start3A_234, %dma_start3A_243, %dma_start3A_244] : memref<3x128x128xf32, #tpu.memory_space<vmem>> -> memref<1x128x128xf32, #tpu.memory_space<vmem>>
    %dma_start3A_246 = tpu.memref_squeeze %dma_start3A_245 : memref<1x128x128xf32, #tpu.memory_space<vmem>> -> memref<128x128xf32, #tpu.memory_space<vmem>>
    tpu.enqueue_dma source(%dma_start3A_246 : memref<128x128xf32, #tpu.memory_space<vmem>>) target(%dma_start3A_242 : memref<128x128xf32, #tpu.memory_space<hbm>>) target_semaphore(%arg8 : memref<!tpu.dma_semaphore, #tpu.memory_space<semaphore_mem>>)
    %dma_wait3A_247 = arith.constant 0 : i32
    %dma_wait3A_248 = arith.constant 0 : i32
    %dma_wait3A_249 = arith.constant 0 : i32
    %dma_wait3A_250 = tpu.memref_slice %arg6[%dma_wait3A_247, %dma_wait3A_248, %dma_wait3A_249] : memref<3x128x128xf32, #tpu.memory_space<vmem>> -> memref<1x128x128xf32, #tpu.memory_space<vmem>>
    %dma_wait3A_251 = tpu.memref_squeeze %dma_wait3A_250 : memref<1x128x128xf32, #tpu.memory_space<vmem>> -> memref<128x128xf32, #tpu.memory_space<vmem>>
    %dma_wait3A_252 = arith.constant 0 : i32
    %dma_wait3A_253 = tpu.memref_slice %arg4[%add3A_181, %dma_wait3A_252] : memref<32768x128xf32, #tpu.memory_space<hbm>> -> memref<128x128xf32, #tpu.memory_space<hbm>>
    %dma_wait3A_254 = arith.constant 0 : i32
    %dma_wait3A_255 = tpu.memref_slice %arg4[%add3A_181, %dma_wait3A_254] : memref<32768x128xf32, #tpu.memory_space<hbm>> -> memref<128x128xf32, #tpu.memory_space<hbm>>
    %dma_wait3A_256 = arith.constant 0 : i32
    %dma_wait3A_257 = arith.constant 0 : i32
    %dma_wait3A_258 = tpu.memref_slice %arg6[%dma_wait3A_247, %dma_wait3A_256, %dma_wait3A_257] : memref<3x128x128xf32, #tpu.memory_space<vmem>> -> memref<1x128x128xf32, #tpu.memory_space<vmem>>
    %dma_wait3A_259 = tpu.memref_squeeze %dma_wait3A_258 : memref<1x128x128xf32, #tpu.memory_space<vmem>> -> memref<128x128xf32, #tpu.memory_space<vmem>>
    tpu.wait_dma2 semaphore(%arg8 : memref<!tpu.dma_semaphore, #tpu.memory_space<semaphore_mem>>) src(%dma_wait3A_259 : memref<128x128xf32, #tpu.memory_space<vmem>>) dst(%dma_wait3A_255 : memref<128x128xf32, #tpu.memory_space<hbm>>)
    %dma_start3A_260 = arith.constant 6 : i32
    %dma_start3A_261 = arith.constant 0 : i32
    %dma_start3A_262 = arith.constant 0 : i32
    %dma_start3A_263 = arith.constant 0 : i32
    %dma_start3A_264 = tpu.memref_slice %arg6[%dma_start3A_261, %dma_start3A_262, %dma_start3A_263] : memref<3x128x128xf32, #tpu.memory_space<vmem>> -> memref<1x128x128xf32, #tpu.memory_space<vmem>>
    %dma_start3A_265 = tpu.memref_squeeze %dma_start3A_264 : memref<1x128x128xf32, #tpu.memory_space<vmem>> -> memref<128x128xf32, #tpu.memory_space<vmem>>
    %dma_start3A_266 = arith.constant 0 : i32
    %dma_start3A_267 = tpu.memref_slice %arg5[%dma_start3A_260, %dma_start3A_266] : memref<8x128xi32, #tpu.memory_space<vmem>> -> memref<1x128xi32, #tpu.memory_space<vmem>>
    %dma_start3A_268 = tpu.memref_squeeze %dma_start3A_267 : memref<1x128xi32, #tpu.memory_space<vmem>> -> memref<128xi32, #tpu.memory_space<vmem>>
    %dma_start3A_269 = arith.constant 0 : i32
    %dma_start3A_270 = arith.constant 0 : i32
    %dma_start3A_271 = tpu.memref_slice %arg2[%dma_start3A_269, %dma_start3A_270] : memref<1024x128xf32, #tpu.memory_space<hbm>> -> memref<1024x128xf32, #tpu.memory_space<hbm>>
    tpu.enqueue_indirect_dma source(%dma_start3A_271 : memref<1024x128xf32, #tpu.memory_space<hbm>>) target(%dma_start3A_265 : memref<128x128xf32, #tpu.memory_space<vmem>>) offsets(%dma_start3A_268 : memref<128xi32, #tpu.memory_space<vmem>>) semaphore(%arg7 : memref<!tpu.dma_semaphore, #tpu.memory_space<semaphore_mem>>)
    %dma_wait3A_272 = arith.constant 5 : i32
    %dma_wait3A_273 = arith.constant 2 : i32
    %dma_wait3A_274 = arith.constant 0 : i32
    %dma_wait3A_275 = arith.constant 0 : i32
    %dma_wait3A_276 = tpu.memref_slice %arg6[%dma_wait3A_273, %dma_wait3A_274, %dma_wait3A_275] : memref<3x128x128xf32, #tpu.memory_space<vmem>> -> memref<1x128x128xf32, #tpu.memory_space<vmem>>
    %dma_wait3A_277 = tpu.memref_squeeze %dma_wait3A_276 : memref<1x128x128xf32, #tpu.memory_space<vmem>> -> memref<128x128xf32, #tpu.memory_space<vmem>>
    %dma_wait3A_278 = arith.constant 0 : i32
    %dma_wait3A_279 = tpu.memref_slice %arg5[%dma_wait3A_272, %dma_wait3A_278] : memref<8x128xi32, #tpu.memory_space<vmem>> -> memref<1x128xi32, #tpu.memory_space<vmem>>
    %dma_wait3A_280 = tpu.memref_squeeze %dma_wait3A_279 : memref<1x128xi32, #tpu.memory_space<vmem>> -> memref<128xi32, #tpu.memory_space<vmem>>
    %dma_wait3A_281 = arith.constant 0 : i32
    %dma_wait3A_282 = arith.constant 0 : i32
    %dma_wait3A_283 = tpu.memref_slice %arg2[%dma_wait3A_281, %dma_wait3A_282] : memref<1024x128xf32, #tpu.memory_space<hbm>> -> memref<1024x128xf32, #tpu.memory_space<hbm>>
    tpu.wait_indirect_dma semaphore(%arg7 : memref<!tpu.dma_semaphore, #tpu.memory_space<semaphore_mem>>) src(%dma_wait3A_283 : memref<1024x128xf32, #tpu.memory_space<hbm>>) dst(%dma_wait3A_277 : memref<128x128xf32, #tpu.memory_space<vmem>>)
    %add3A_284 = arith.constant 640 : i32
    %add3A_285 = arith.addi %mul3A_2, %add3A_284 : i32
    %dma_start3A_286 = arith.constant 2 : i32
    %dma_start3A_287 = arith.constant 0 : i32
    %dma_start3A_288 = arith.constant 0 : i32
    %dma_start3A_289 = tpu.memref_slice %arg6[%dma_start3A_286, %dma_start3A_287, %dma_start3A_288] : memref<3x128x128xf32, #tpu.memory_space<vmem>> -> memref<1x128x128xf32, #tpu.memory_space<vmem>>
    %dma_start3A_290 = tpu.memref_squeeze %dma_start3A_289 : memref<1x128x128xf32, #tpu.memory_space<vmem>> -> memref<128x128xf32, #tpu.memory_space<vmem>>
    %dma_start3A_291 = arith.constant 0 : i32
    %dma_start3A_292 = tpu.memref_slice %arg4[%add3A_285, %dma_start3A_291] : memref<32768x128xf32, #tpu.memory_space<hbm>> -> memref<128x128xf32, #tpu.memory_space<hbm>>
    %dma_start3A_293 = arith.constant 0 : i32
    %dma_start3A_294 = tpu.memref_slice %arg4[%add3A_285, %dma_start3A_293] : memref<32768x128xf32, #tpu.memory_space<hbm>> -> memref<128x128xf32, #tpu.memory_space<hbm>>
    %dma_start3A_295 = arith.constant 0 : i32
    %dma_start3A_296 = arith.constant 0 : i32
    %dma_start3A_297 = tpu.memref_slice %arg6[%dma_start3A_286, %dma_start3A_295, %dma_start3A_296] : memref<3x128x128xf32, #tpu.memory_space<vmem>> -> memref<1x128x128xf32, #tpu.memory_space<vmem>>
    %dma_start3A_298 = tpu.memref_squeeze %dma_start3A_297 : memref<1x128x128xf32, #tpu.memory_space<vmem>> -> memref<128x128xf32, #tpu.memory_space<vmem>>
    tpu.enqueue_dma source(%dma_start3A_298 : memref<128x128xf32, #tpu.memory_space<vmem>>) target(%dma_start3A_294 : memref<128x128xf32, #tpu.memory_space<hbm>>) target_semaphore(%arg8 : memref<!tpu.dma_semaphore, #tpu.memory_space<semaphore_mem>>)
    %dma_wait3A_299 = arith.constant 1 : i32
    %dma_wait3A_300 = arith.constant 0 : i32
    %dma_wait3A_301 = arith.constant 0 : i32
    %dma_wait3A_302 = tpu.memref_slice %arg6[%dma_wait3A_299, %dma_wait3A_300, %dma_wait3A_301] : memref<3x128x128xf32, #tpu.memory_space<vmem>> -> memref<1x128x128xf32, #tpu.memory_space<vmem>>
    %dma_wait3A_303 = tpu.memref_squeeze %dma_wait3A_302 : memref<1x128x128xf32, #tpu.memory_space<vmem>> -> memref<128x128xf32, #tpu.memory_space<vmem>>
    %dma_wait3A_304 = arith.constant 0 : i32
    %dma_wait3A_305 = tpu.memref_slice %arg4[%add3A_233, %dma_wait3A_304] : memref<32768x128xf32, #tpu.memory_space<hbm>> -> memref<128x128xf32, #tpu.memory_space<hbm>>
    %dma_wait3A_306 = arith.constant 0 : i32
    %dma_wait3A_307 = tpu.memref_slice %arg4[%add3A_233, %dma_wait3A_306] : memref<32768x128xf32, #tpu.memory_space<hbm>> -> memref<128x128xf32, #tpu.memory_space<hbm>>
    %dma_wait3A_308 = arith.constant 0 : i32
    %dma_wait3A_309 = arith.constant 0 : i32
    %dma_wait3A_310 = tpu.memref_slice %arg6[%dma_wait3A_299, %dma_wait3A_308, %dma_wait3A_309] : memref<3x128x128xf32, #tpu.memory_space<vmem>> -> memref<1x128x128xf32, #tpu.memory_space<vmem>>
    %dma_wait3A_311 = tpu.memref_squeeze %dma_wait3A_310 : memref<1x128x128xf32, #tpu.memory_space<vmem>> -> memref<128x128xf32, #tpu.memory_space<vmem>>
    tpu.wait_dma2 semaphore(%arg8 : memref<!tpu.dma_semaphore, #tpu.memory_space<semaphore_mem>>) src(%dma_wait3A_311 : memref<128x128xf32, #tpu.memory_space<vmem>>) dst(%dma_wait3A_307 : memref<128x128xf32, #tpu.memory_space<hbm>>)
    %dma_start3A_312 = arith.constant 7 : i32
    %dma_start3A_313 = arith.constant 1 : i32
    %dma_start3A_314 = arith.constant 0 : i32
    %dma_start3A_315 = arith.constant 0 : i32
    %dma_start3A_316 = tpu.memref_slice %arg6[%dma_start3A_313, %dma_start3A_314, %dma_start3A_315] : memref<3x128x128xf32, #tpu.memory_space<vmem>> -> memref<1x128x128xf32, #tpu.memory_space<vmem>>
    %dma_start3A_317 = tpu.memref_squeeze %dma_start3A_316 : memref<1x128x128xf32, #tpu.memory_space<vmem>> -> memref<128x128xf32, #tpu.memory_space<vmem>>
    %dma_start3A_318 = arith.constant 0 : i32
    %dma_start3A_319 = tpu.memref_slice %arg5[%dma_start3A_312, %dma_start3A_318] : memref<8x128xi32, #tpu.memory_space<vmem>> -> memref<1x128xi32, #tpu.memory_space<vmem>>
    %dma_start3A_320 = tpu.memref_squeeze %dma_start3A_319 : memref<1x128xi32, #tpu.memory_space<vmem>> -> memref<128xi32, #tpu.memory_space<vmem>>
    %dma_start3A_321 = arith.constant 0 : i32
    %dma_start3A_322 = arith.constant 0 : i32
    %dma_start3A_323 = tpu.memref_slice %arg2[%dma_start3A_321, %dma_start3A_322] : memref<1024x128xf32, #tpu.memory_space<hbm>> -> memref<1024x128xf32, #tpu.memory_space<hbm>>
    tpu.enqueue_indirect_dma source(%dma_start3A_323 : memref<1024x128xf32, #tpu.memory_space<hbm>>) target(%dma_start3A_317 : memref<128x128xf32, #tpu.memory_space<vmem>>) offsets(%dma_start3A_320 : memref<128xi32, #tpu.memory_space<vmem>>) semaphore(%arg7 : memref<!tpu.dma_semaphore, #tpu.memory_space<semaphore_mem>>)
    %dma_wait3A_324 = arith.constant 6 : i32
    %dma_wait3A_325 = arith.constant 0 : i32
    %dma_wait3A_326 = arith.constant 0 : i32
    %dma_wait3A_327 = arith.constant 0 : i32
    %dma_wait3A_328 = tpu.memref_slice %arg6[%dma_wait3A_325, %dma_wait3A_326, %dma_wait3A_327] : memref<3x128x128xf32, #tpu.memory_space<vmem>> -> memref<1x128x128xf32, #tpu.memory_space<vmem>>
    %dma_wait3A_329 = tpu.memref_squeeze %dma_wait3A_328 : memref<1x128x128xf32, #tpu.memory_space<vmem>> -> memref<128x128xf32, #tpu.memory_space<vmem>>
    %dma_wait3A_330 = arith.constant 0 : i32
    %dma_wait3A_331 = tpu.memref_slice %arg5[%dma_wait3A_324, %dma_wait3A_330] : memref<8x128xi32, #tpu.memory_space<vmem>> -> memref<1x128xi32, #tpu.memory_space<vmem>>
    %dma_wait3A_332 = tpu.memref_squeeze %dma_wait3A_331 : memref<1x128xi32, #tpu.memory_space<vmem>> -> memref<128xi32, #tpu.memory_space<vmem>>
    %dma_wait3A_333 = arith.constant 0 : i32
    %dma_wait3A_334 = arith.constant 0 : i32
    %dma_wait3A_335 = tpu.memref_slice %arg2[%dma_wait3A_333, %dma_wait3A_334] : memref<1024x128xf32, #tpu.memory_space<hbm>> -> memref<1024x128xf32, #tpu.memory_space<hbm>>
    tpu.wait_indirect_dma semaphore(%arg7 : memref<!tpu.dma_semaphore, #tpu.memory_space<semaphore_mem>>) src(%dma_wait3A_335 : memref<1024x128xf32, #tpu.memory_space<hbm>>) dst(%dma_wait3A_329 : memref<128x128xf32, #tpu.memory_space<vmem>>)
    %add3A_336 = arith.constant 768 : i32
    %add3A_337 = arith.addi %mul3A_2, %add3A_336 : i32
    %dma_start3A_338 = arith.constant 0 : i32
    %dma_start3A_339 = arith.constant 0 : i32
    %dma_start3A_340 = arith.constant 0 : i32
    %dma_start3A_341 = tpu.memref_slice %arg6[%dma_start3A_338, %dma_start3A_339, %dma_start3A_340] : memref<3x128x128xf32, #tpu.memory_space<vmem>> -> memref<1x128x128xf32, #tpu.memory_space<vmem>>
    %dma_start3A_342 = tpu.memref_squeeze %dma_start3A_341 : memref<1x128x128xf32, #tpu.memory_space<vmem>> -> memref<128x128xf32, #tpu.memory_space<vmem>>
    %dma_start3A_343 = arith.constant 0 : i32
    %dma_start3A_344 = tpu.memref_slice %arg4[%add3A_337, %dma_start3A_343] : memref<32768x128xf32, #tpu.memory_space<hbm>> -> memref<128x128xf32, #tpu.memory_space<hbm>>
    %dma_start3A_345 = arith.constant 0 : i32
    %dma_start3A_346 = tpu.memref_slice %arg4[%add3A_337, %dma_start3A_345] : memref<32768x128xf32, #tpu.memory_space<hbm>> -> memref<128x128xf32, #tpu.memory_space<hbm>>
    %dma_start3A_347 = arith.constant 0 : i32
    %dma_start3A_348 = arith.constant 0 : i32
    %dma_start3A_349 = tpu.memref_slice %arg6[%dma_start3A_338, %dma_start3A_347, %dma_start3A_348] : memref<3x128x128xf32, #tpu.memory_space<vmem>> -> memref<1x128x128xf32, #tpu.memory_space<vmem>>
    %dma_start3A_350 = tpu.memref_squeeze %dma_start3A_349 : memref<1x128x128xf32, #tpu.memory_space<vmem>> -> memref<128x128xf32, #tpu.memory_space<vmem>>
    tpu.enqueue_dma source(%dma_start3A_350 : memref<128x128xf32, #tpu.memory_space<vmem>>) target(%dma_start3A_346 : memref<128x128xf32, #tpu.memory_space<hbm>>) target_semaphore(%arg8 : memref<!tpu.dma_semaphore, #tpu.memory_space<semaphore_mem>>)
    %dma_wait3A_351 = arith.constant 7 : i32
    %dma_wait3A_352 = arith.constant 1 : i32
    %dma_wait3A_353 = arith.constant 0 : i32
    %dma_wait3A_354 = arith.constant 0 : i32
    %dma_wait3A_355 = tpu.memref_slice %arg6[%dma_wait3A_352, %dma_wait3A_353, %dma_wait3A_354] : memref<3x128x128xf32, #tpu.memory_space<vmem>> -> memref<1x128x128xf32, #tpu.memory_space<vmem>>
    %dma_wait3A_356 = tpu.memref_squeeze %dma_wait3A_355 : memref<1x128x128xf32, #tpu.memory_space<vmem>> -> memref<128x128xf32, #tpu.memory_space<vmem>>
    %dma_wait3A_357 = arith.constant 0 : i32
    %dma_wait3A_358 = tpu.memref_slice %arg5[%dma_wait3A_351, %dma_wait3A_357] : memref<8x128xi32, #tpu.memory_space<vmem>> -> memref<1x128xi32, #tpu.memory_space<vmem>>
    %dma_wait3A_359 = tpu.memref_squeeze %dma_wait3A_358 : memref<1x128xi32, #tpu.memory_space<vmem>> -> memref<128xi32, #tpu.memory_space<vmem>>
    %dma_wait3A_360 = arith.constant 0 : i32
    %dma_wait3A_361 = arith.constant 0 : i32
    %dma_wait3A_362 = tpu.memref_slice %arg2[%dma_wait3A_360, %dma_wait3A_361] : memref<1024x128xf32, #tpu.memory_space<hbm>> -> memref<1024x128xf32, #tpu.memory_space<hbm>>
    tpu.wait_indirect_dma semaphore(%arg7 : memref<!tpu.dma_semaphore, #tpu.memory_space<semaphore_mem>>) src(%dma_wait3A_362 : memref<1024x128xf32, #tpu.memory_space<hbm>>) dst(%dma_wait3A_356 : memref<128x128xf32, #tpu.memory_space<vmem>>)
    %add3A_363 = arith.constant 896 : i32
    %add3A_364 = arith.addi %mul3A_2, %add3A_363 : i32
    %dma_start3A_365 = arith.constant 1 : i32
    %dma_start3A_366 = arith.constant 0 : i32
    %dma_start3A_367 = arith.constant 0 : i32
    %dma_start3A_368 = tpu.memref_slice %arg6[%dma_start3A_365, %dma_start3A_366, %dma_start3A_367] : memref<3x128x128xf32, #tpu.memory_space<vmem>> -> memref<1x128x128xf32, #tpu.memory_space<vmem>>
    %dma_start3A_369 = tpu.memref_squeeze %dma_start3A_368 : memref<1x128x128xf32, #tpu.memory_space<vmem>> -> memref<128x128xf32, #tpu.memory_space<vmem>>
    %dma_start3A_370 = arith.constant 0 : i32
    %dma_start3A_371 = tpu.memref_slice %arg4[%add3A_364, %dma_start3A_370] : memref<32768x128xf32, #tpu.memory_space<hbm>> -> memref<128x128xf32, #tpu.memory_space<hbm>>
    %dma_start3A_372 = arith.constant 0 : i32
    %dma_start3A_373 = tpu.memref_slice %arg4[%add3A_364, %dma_start3A_372] : memref<32768x128xf32, #tpu.memory_space<hbm>> -> memref<128x128xf32, #tpu.memory_space<hbm>>
    %dma_start3A_374 = arith.constant 0 : i32
    %dma_start3A_375 = arith.constant 0 : i32
    %dma_start3A_376 = tpu.memref_slice %arg6[%dma_start3A_365, %dma_start3A_374, %dma_start3A_375] : memref<3x128x128xf32, #tpu.memory_space<vmem>> -> memref<1x128x128xf32, #tpu.memory_space<vmem>>
    %dma_start3A_377 = tpu.memref_squeeze %dma_start3A_376 : memref<1x128x128xf32, #tpu.memory_space<vmem>> -> memref<128x128xf32, #tpu.memory_space<vmem>>
    tpu.enqueue_dma source(%dma_start3A_377 : memref<128x128xf32, #tpu.memory_space<vmem>>) target(%dma_start3A_373 : memref<128x128xf32, #tpu.memory_space<hbm>>) target_semaphore(%arg8 : memref<!tpu.dma_semaphore, #tpu.memory_space<semaphore_mem>>)
    %dma_wait3A_378 = arith.constant 0 : i32
    %dma_wait3A_379 = arith.constant 0 : i32
    %dma_wait3A_380 = arith.constant 0 : i32
    %dma_wait3A_381 = tpu.memref_slice %arg6[%dma_wait3A_378, %dma_wait3A_379, %dma_wait3A_380] : memref<3x128x128xf32, #tpu.memory_space<vmem>> -> memref<1x128x128xf32, #tpu.memory_space<vmem>>
    %dma_wait3A_382 = tpu.memref_squeeze %dma_wait3A_381 : memref<1x128x128xf32, #tpu.memory_space<vmem>> -> memref<128x128xf32, #tpu.memory_space<vmem>>
    %dma_wait3A_383 = arith.constant 0 : i32
    %dma_wait3A_384 = tpu.memref_slice %arg4[%add3A_337, %dma_wait3A_383] : memref<32768x128xf32, #tpu.memory_space<hbm>> -> memref<128x128xf32, #tpu.memory_space<hbm>>
    %dma_wait3A_385 = arith.constant 0 : i32
    %dma_wait3A_386 = tpu.memref_slice %arg4[%add3A_337, %dma_wait3A_385] : memref<32768x128xf32, #tpu.memory_space<hbm>> -> memref<128x128xf32, #tpu.memory_space<hbm>>
    %dma_wait3A_387 = arith.constant 0 : i32
    %dma_wait3A_388 = arith.constant 0 : i32
    %dma_wait3A_389 = tpu.memref_slice %arg6[%dma_wait3A_378, %dma_wait3A_387, %dma_wait3A_388] : memref<3x128x128xf32, #tpu.memory_space<vmem>> -> memref<1x128x128xf32, #tpu.memory_space<vmem>>
    %dma_wait3A_390 = tpu.memref_squeeze %dma_wait3A_389 : memref<1x128x128xf32, #tpu.memory_space<vmem>> -> memref<128x128xf32, #tpu.memory_space<vmem>>
    tpu.wait_dma2 semaphore(%arg8 : memref<!tpu.dma_semaphore, #tpu.memory_space<semaphore_mem>>) src(%dma_wait3A_390 : memref<128x128xf32, #tpu.memory_space<vmem>>) dst(%dma_wait3A_386 : memref<128x128xf32, #tpu.memory_space<hbm>>)
    %dma_wait3A_391 = arith.constant 1 : i32
    %dma_wait3A_392 = arith.constant 0 : i32
    %dma_wait3A_393 = arith.constant 0 : i32
    %dma_wait3A_394 = tpu.memref_slice %arg6[%dma_wait3A_391, %dma_wait3A_392, %dma_wait3A_393] : memref<3x128x128xf32, #tpu.memory_space<vmem>> -> memref<1x128x128xf32, #tpu.memory_space<vmem>>
    %dma_wait3A_395 = tpu.memref_squeeze %dma_wait3A_394 : memref<1x128x128xf32, #tpu.memory_space<vmem>> -> memref<128x128xf32, #tpu.memory_space<vmem>>
    %dma_wait3A_396 = arith.constant 0 : i32
    %dma_wait3A_397 = tpu.memref_slice %arg4[%add3A_364, %dma_wait3A_396] : memref<32768x128xf32, #tpu.memory_space<hbm>> -> memref<128x128xf32, #tpu.memory_space<hbm>>
    %dma_wait3A_398 = arith.constant 0 : i32
    %dma_wait3A_399 = tpu.memref_slice %arg4[%add3A_364, %dma_wait3A_398] : memref<32768x128xf32, #tpu.memory_space<hbm>> -> memref<128x128xf32, #tpu.memory_space<hbm>>
    %dma_wait3A_400 = arith.constant 0 : i32
    %dma_wait3A_401 = arith.constant 0 : i32
    %dma_wait3A_402 = tpu.memref_slice %arg6[%dma_wait3A_391, %dma_wait3A_400, %dma_wait3A_401] : memref<3x128x128xf32, #tpu.memory_space<vmem>> -> memref<1x128x128xf32, #tpu.memory_space<vmem>>
    %dma_wait3A_403 = tpu.memref_squeeze %dma_wait3A_402 : memref<1x128x128xf32, #tpu.memory_space<vmem>> -> memref<128x128xf32, #tpu.memory_space<vmem>>
    tpu.wait_dma2 semaphore(%arg8 : memref<!tpu.dma_semaphore, #tpu.memory_space<semaphore_mem>>) src(%dma_wait3A_403 : memref<128x128xf32, #tpu.memory_space<vmem>>) dst(%dma_wait3A_399 : memref<128x128xf32, #tpu.memory_space<hbm>>)
    %dma_wait3A_404 = arith.constant 2 : i32
    %dma_wait3A_405 = arith.constant 0 : i32
    %dma_wait3A_406 = arith.constant 0 : i32
    %dma_wait3A_407 = tpu.memref_slice %arg6[%dma_wait3A_404, %dma_wait3A_405, %dma_wait3A_406] : memref<3x128x128xf32, #tpu.memory_space<vmem>> -> memref<1x128x128xf32, #tpu.memory_space<vmem>>
    %dma_wait3A_408 = tpu.memref_squeeze %dma_wait3A_407 : memref<1x128x128xf32, #tpu.memory_space<vmem>> -> memref<128x128xf32, #tpu.memory_space<vmem>>
    %dma_wait3A_409 = arith.constant 0 : i32
    %dma_wait3A_410 = tpu.memref_slice %arg4[%add3A_285, %dma_wait3A_409] : memref<32768x128xf32, #tpu.memory_space<hbm>> -> memref<128x128xf32, #tpu.memory_space<hbm>>
    %dma_wait3A_411 = arith.constant 0 : i32
    %dma_wait3A_412 = tpu.memref_slice %arg4[%add3A_285, %dma_wait3A_411] : memref<32768x128xf32, #tpu.memory_space<hbm>> -> memref<128x128xf32, #tpu.memory_space<hbm>>
    %dma_wait3A_413 = arith.constant 0 : i32
    %dma_wait3A_414 = arith.constant 0 : i32
    %dma_wait3A_415 = tpu.memref_slice %arg6[%dma_wait3A_404, %dma_wait3A_413, %dma_wait3A_414] : memref<3x128x128xf32, #tpu.memory_space<vmem>> -> memref<1x128x128xf32, #tpu.memory_space<vmem>>
    %dma_wait3A_416 = tpu.memref_squeeze %dma_wait3A_415 : memref<1x128x128xf32, #tpu.memory_space<vmem>> -> memref<128x128xf32, #tpu.memory_space<vmem>>
    tpu.wait_dma2 semaphore(%arg8 : memref<!tpu.dma_semaphore, #tpu.memory_space<semaphore_mem>>) src(%dma_wait3A_416 : memref<128x128xf32, #tpu.memory_space<vmem>>) dst(%dma_wait3A_412 : memref<128x128xf32, #tpu.memory_space<hbm>>)
    return
  }
}

module attributes {stable_mosaic.version = 14 : i64} {
  func.func @_argmax_body(%arg0: i32, %arg1: memref<4x64x1024xf32, #tpu.memory_space<vmem>>, %arg2: memref<64x1024xf32, #tpu.memory_space<vmem>>, %arg3: memref<1x4x1024xi32, #tpu.memory_space<vmem>>) attributes {dimension_semantics = [#tpu.dimension_semantics<arbitrary>], iteration_bounds = array<i64: 8>, scalar_prefetch = 0 : i64, scratch_operands = 0 : i64, tpu.core_type = #tpu.core_type<tc>, window_params = [{transform_indices = @transform_0, window_bounds = array<i64: 4, 64, 1024>}, {pipeline_mode = #tpu.pipeline_mode<synchronous>, transform_indices = @transform_1, window_bounds = array<i64: 64, 1024>}, {transform_indices = @transform_2, window_bounds = array<i64: 1, 4, 1024>}]} {
    %get3A = arith.constant 0 : index
    %get3A_0 = arith.constant 0 : index
    %get3A_1 = vector.load %arg2[%get3A, %get3A_0] : memref<64x1024xf32, #tpu.memory_space<vmem>>, vector<64x1024xf32>
    %mul3A = arith.mulf %get3A_1, %get3A_1 : vector<64x1024xf32>
    %reduce_sum3A = arith.constant dense<0.000000e+00> : vector<1024xf32>
    %reduce_sum3A_2 = vector.multi_reduction <add>, %mul3A, %reduce_sum3A [0] : vector<64x1024xf32> to vector<1024xf32>
    %broadcast_in_dim3A = vector.shape_cast %reduce_sum3A_2 : vector<1024xf32> to vector<1x1024xf32>
    %sqrt3A = math.sqrt %broadcast_in_dim3A : vector<1x1024xf32>
    %max3A = arith.constant 9.99999996E-13 : f32
    %max3A_3 = vector.broadcast %max3A : f32 to vector<1x1024xf32>
    %max3A_4 = arith.maximumf %sqrt3A, %max3A_3 : vector<1x1024xf32>
    %div3A = vector.broadcast %max3A_4 : vector<1x1024xf32> to vector<64x1024xf32>
    %div3A_5 = arith.divf %get3A_1, %div3A : vector<64x1024xf32>
    %get3A_6 = arith.constant 0 : index
    %get3A_7 = arith.constant 0 : index
    %get3A_8 = arith.constant 0 : index
    %get3A_9 = vector.load %arg1[%get3A_6, %get3A_7, %get3A_8] : memref<4x64x1024xf32, #tpu.memory_space<vmem>>, vector<1x64x1024xf32>
    %get3A_10 = vector.shape_cast %get3A_9 : vector<1x64x1024xf32> to vector<64x1024xf32>
    %mul3A_11 = arith.mulf %get3A_10, %get3A_10 : vector<64x1024xf32>
    %reduce_sum3A_12 = arith.constant dense<0.000000e+00> : vector<1024xf32>
    %reduce_sum3A_13 = vector.multi_reduction <add>, %mul3A_11, %reduce_sum3A_12 [0] : vector<64x1024xf32> to vector<1024xf32>
    %broadcast_in_dim3A_14 = vector.shape_cast %reduce_sum3A_13 : vector<1024xf32> to vector<1x1024xf32>
    %sqrt3A_15 = math.sqrt %broadcast_in_dim3A_14 : vector<1x1024xf32>
    %max3A_16 = arith.constant 9.99999996E-13 : f32
    %max3A_17 = vector.broadcast %max3A_16 : f32 to vector<1x1024xf32>
    %max3A_18 = arith.maximumf %sqrt3A_15, %max3A_17 : vector<1x1024xf32>
    %div3A_19 = vector.broadcast %max3A_18 : vector<1x1024xf32> to vector<64x1024xf32>
    %div3A_20 = arith.divf %get3A_10, %div3A_19 : vector<64x1024xf32>
    %dot_general3A = arith.constant dense<0.000000e+00> : vector<1024x1024xf32>
    %dot_general3A_21 = tpu.matmul %div3A_5, %div3A_20, %dot_general3A {dimension_numbers = #tpu.dot_dimension_numbers<[0], [0], [1], [1], [0, 1, 1, 1], [], []>, transpose_lhs_hint = false} : vector<64x1024xf32>, vector<64x1024xf32>, vector<1024x1024xf32> -> vector<1024x1024xf32>
    %argmax3A = tpu.reduce_index %dot_general3A_21 {axis = 0 : i32, kind = #tpu.reduction_kind<arg_max>} : vector<1024x1024xf32> -> vector<1024xi32>
    %swap3A = arith.constant 0 : index
    %swap3A_22 = arith.constant 0 : index
    %swap3A_23 = arith.constant 0 : index
    %swap3A_24 = vector.load %arg3[%swap3A, %swap3A_22, %swap3A_23] : memref<1x4x1024xi32, #tpu.memory_space<vmem>>, vector<1x1x1024xi32>
    %swap3A_25 = vector.shape_cast %swap3A_24 : vector<1x1x1024xi32> to vector<1024xi32>
    %swap3A_26 = vector.shape_cast %argmax3A : vector<1024xi32> to vector<1x1x1024xi32>
    tpu.vector_store %arg3[%swap3A, %swap3A_22, %swap3A_23], %swap3A_26 {strides = array<i32>} : memref<1x4x1024xi32, #tpu.memory_space<vmem>>, vector<1x1x1024xi32>,
    %get3A_27 = arith.constant 1 : index
    %get3A_28 = arith.constant 0 : index
    %get3A_29 = arith.constant 0 : index
    %get3A_30 = vector.load %arg1[%get3A_27, %get3A_28, %get3A_29] : memref<4x64x1024xf32, #tpu.memory_space<vmem>>, vector<1x64x1024xf32>
    %get3A_31 = vector.shape_cast %get3A_30 : vector<1x64x1024xf32> to vector<64x1024xf32>
    %mul3A_32 = arith.mulf %get3A_31, %get3A_31 : vector<64x1024xf32>
    %reduce_sum3A_33 = arith.constant dense<0.000000e+00> : vector<1024xf32>
    %reduce_sum3A_34 = vector.multi_reduction <add>, %mul3A_32, %reduce_sum3A_33 [0] : vector<64x1024xf32> to vector<1024xf32>
    %broadcast_in_dim3A_35 = vector.shape_cast %reduce_sum3A_34 : vector<1024xf32> to vector<1x1024xf32>
    %sqrt3A_36 = math.sqrt %broadcast_in_dim3A_35 : vector<1x1024xf32>
    %max3A_37 = arith.constant 9.99999996E-13 : f32
    %max3A_38 = vector.broadcast %max3A_37 : f32 to vector<1x1024xf32>
    %max3A_39 = arith.maximumf %sqrt3A_36, %max3A_38 : vector<1x1024xf32>
    %div3A_40 = vector.broadcast %max3A_39 : vector<1x1024xf32> to vector<64x1024xf32>
    %div3A_41 = arith.divf %get3A_31, %div3A_40 : vector<64x1024xf32>
    %dot_general3A_42 = arith.constant dense<0.000000e+00> : vector<1024x1024xf32>
    %dot_general3A_43 = tpu.matmul %div3A_5, %div3A_41, %dot_general3A_42 {dimension_numbers = #tpu.dot_dimension_numbers<[0], [0], [1], [1], [0, 1, 1, 1], [], []>, transpose_lhs_hint = false} : vector<64x1024xf32>, vector<64x1024xf32>, vector<1024x1024xf32> -> vector<1024x1024xf32>
    %argmax3A_44 = tpu.reduce_index %dot_general3A_43 {axis = 0 : i32, kind = #tpu.reduction_kind<arg_max>} : vector<1024x1024xf32> -> vector<1024xi32>
    %swap3A_45 = arith.constant 0 : index
    %swap3A_46 = arith.constant 1 : index
    %swap3A_47 = arith.constant 0 : index
    %swap3A_48 = vector.load %arg3[%swap3A_45, %swap3A_46, %swap3A_47] : memref<1x4x1024xi32, #tpu.memory_space<vmem>>, vector<1x1x1024xi32>
    %swap3A_49 = vector.shape_cast %swap3A_48 : vector<1x1x1024xi32> to vector<1024xi32>
    %swap3A_50 = vector.shape_cast %argmax3A_44 : vector<1024xi32> to vector<1x1x1024xi32>
    tpu.vector_store %arg3[%swap3A_45, %swap3A_46, %swap3A_47], %swap3A_50 {strides = array<i32>} : memref<1x4x1024xi32, #tpu.memory_space<vmem>>, vector<1x1x1024xi32>,
    %get3A_51 = arith.constant 2 : index
    %get3A_52 = arith.constant 0 : index
    %get3A_53 = arith.constant 0 : index
    %get3A_54 = vector.load %arg1[%get3A_51, %get3A_52, %get3A_53] : memref<4x64x1024xf32, #tpu.memory_space<vmem>>, vector<1x64x1024xf32>
    %get3A_55 = vector.shape_cast %get3A_54 : vector<1x64x1024xf32> to vector<64x1024xf32>
    %mul3A_56 = arith.mulf %get3A_55, %get3A_55 : vector<64x1024xf32>
    %reduce_sum3A_57 = arith.constant dense<0.000000e+00> : vector<1024xf32>
    %reduce_sum3A_58 = vector.multi_reduction <add>, %mul3A_56, %reduce_sum3A_57 [0] : vector<64x1024xf32> to vector<1024xf32>
    %broadcast_in_dim3A_59 = vector.shape_cast %reduce_sum3A_58 : vector<1024xf32> to vector<1x1024xf32>
    %sqrt3A_60 = math.sqrt %broadcast_in_dim3A_59 : vector<1x1024xf32>
    %max3A_61 = arith.constant 9.99999996E-13 : f32
    %max3A_62 = vector.broadcast %max3A_61 : f32 to vector<1x1024xf32>
    %max3A_63 = arith.maximumf %sqrt3A_60, %max3A_62 : vector<1x1024xf32>
    %div3A_64 = vector.broadcast %max3A_63 : vector<1x1024xf32> to vector<64x1024xf32>
    %div3A_65 = arith.divf %get3A_55, %div3A_64 : vector<64x1024xf32>
    %dot_general3A_66 = arith.constant dense<0.000000e+00> : vector<1024x1024xf32>
    %dot_general3A_67 = tpu.matmul %div3A_5, %div3A_65, %dot_general3A_66 {dimension_numbers = #tpu.dot_dimension_numbers<[0], [0], [1], [1], [0, 1, 1, 1], [], []>, transpose_lhs_hint = false} : vector<64x1024xf32>, vector<64x1024xf32>, vector<1024x1024xf32> -> vector<1024x1024xf32>
    %argmax3A_68 = tpu.reduce_index %dot_general3A_67 {axis = 0 : i32, kind = #tpu.reduction_kind<arg_max>} : vector<1024x1024xf32> -> vector<1024xi32>
    %swap3A_69 = arith.constant 0 : index
    %swap3A_70 = arith.constant 2 : index
    %swap3A_71 = arith.constant 0 : index
    %swap3A_72 = vector.load %arg3[%swap3A_69, %swap3A_70, %swap3A_71] : memref<1x4x1024xi32, #tpu.memory_space<vmem>>, vector<1x1x1024xi32>
    %swap3A_73 = vector.shape_cast %swap3A_72 : vector<1x1x1024xi32> to vector<1024xi32>
    %swap3A_74 = vector.shape_cast %argmax3A_68 : vector<1024xi32> to vector<1x1x1024xi32>
    tpu.vector_store %arg3[%swap3A_69, %swap3A_70, %swap3A_71], %swap3A_74 {strides = array<i32>} : memref<1x4x1024xi32, #tpu.memory_space<vmem>>, vector<1x1x1024xi32>,
    %get3A_75 = arith.constant 3 : index
    %get3A_76 = arith.constant 0 : index
    %get3A_77 = arith.constant 0 : index
    %get3A_78 = vector.load %arg1[%get3A_75, %get3A_76, %get3A_77] : memref<4x64x1024xf32, #tpu.memory_space<vmem>>, vector<1x64x1024xf32>
    %get3A_79 = vector.shape_cast %get3A_78 : vector<1x64x1024xf32> to vector<64x1024xf32>
    %mul3A_80 = arith.mulf %get3A_79, %get3A_79 : vector<64x1024xf32>
    %reduce_sum3A_81 = arith.constant dense<0.000000e+00> : vector<1024xf32>
    %reduce_sum3A_82 = vector.multi_reduction <add>, %mul3A_80, %reduce_sum3A_81 [0] : vector<64x1024xf32> to vector<1024xf32>
    %broadcast_in_dim3A_83 = vector.shape_cast %reduce_sum3A_82 : vector<1024xf32> to vector<1x1024xf32>
    %sqrt3A_84 = math.sqrt %broadcast_in_dim3A_83 : vector<1x1024xf32>
    %max3A_85 = arith.constant 9.99999996E-13 : f32
    %max3A_86 = vector.broadcast %max3A_85 : f32 to vector<1x1024xf32>
    %max3A_87 = arith.maximumf %sqrt3A_84, %max3A_86 : vector<1x1024xf32>
    %div3A_88 = vector.broadcast %max3A_87 : vector<1x1024xf32> to vector<64x1024xf32>
    %div3A_89 = arith.divf %get3A_79, %div3A_88 : vector<64x1024xf32>
    %dot_general3A_90 = arith.constant dense<0.000000e+00> : vector<1024x1024xf32>
    %dot_general3A_91 = tpu.matmul %div3A_5, %div3A_89, %dot_general3A_90 {dimension_numbers = #tpu.dot_dimension_numbers<[0], [0], [1], [1], [0, 1, 1, 1], [], []>, transpose_lhs_hint = false} : vector<64x1024xf32>, vector<64x1024xf32>, vector<1024x1024xf32> -> vector<1024x1024xf32>
    %argmax3A_92 = tpu.reduce_index %dot_general3A_91 {axis = 0 : i32, kind = #tpu.reduction_kind<arg_max>} : vector<1024x1024xf32> -> vector<1024xi32>
    %swap3A_93 = arith.constant 0 : index
    %swap3A_94 = arith.constant 3 : index
    %swap3A_95 = arith.constant 0 : index
    %swap3A_96 = vector.load %arg3[%swap3A_93, %swap3A_94, %swap3A_95] : memref<1x4x1024xi32, #tpu.memory_space<vmem>>, vector<1x1x1024xi32>
    %swap3A_97 = vector.shape_cast %swap3A_96 : vector<1x1x1024xi32> to vector<1024xi32>
    %swap3A_98 = vector.shape_cast %argmax3A_92 : vector<1024xi32> to vector<1x1x1024xi32>
    tpu.vector_store %arg3[%swap3A_93, %swap3A_94, %swap3A_95], %swap3A_98 {strides = array<i32>} : memref<1x4x1024xi32, #tpu.memory_space<vmem>>, vector<1x1x1024xi32>,
    return
  }
  func.func @transform_0(%arg0: i32) -> (i32, i32, i32) {
    %c0_i32 = arith.constant 0 : i32
    %c0_i32_0 = arith.constant 0 : i32
    %c0_i32_1 = arith.constant 0 : i32
    return %arg0, %c0_i32, %c0_i32_0 : i32, i32, i32
  }
  func.func @transform_1(%arg0: i32) -> (i32, i32) {
    %c0_i32 = arith.constant 0 : i32
    %c0_i32_0 = arith.constant 0 : i32
    %c0_i32_1 = arith.constant 0 : i32
    return %c0_i32, %c0_i32_0 : i32, i32
  }
  func.func @transform_2(%arg0: i32) -> (i32, i32, i32) {
    %c0_i32 = arith.constant 0 : i32
    %c0_i32_0 = arith.constant 0 : i32
    %c0_i32_1 = arith.constant 0 : i32
    return %arg0, %c0_i32, %c0_i32_0 : i32, i32, i32
  }
}

</mosaic_0001>

<sc_bundles>
// kernel: kernel.4.cloned.1.call-start
scs
__scs_entry_jumppad:
0x0: {  	(pc) =	sbr.rel $0x88, $3  }
0x1: {  	(tag) =	ssettag $0x0;
	lr =	simm.s32 $0x1  }
0x2: {  	[smem:$0x3F9F] =	sst lr;
	_ =	strace $0xD0000000  }
0x3: {  	_ = 	snop  }
0x4: {  	_ = 	snop  }
0x5: {  	_ = 	snop  }
0x6: {  	_ = 	snop  }
0x7: {  	_ = 	snop  }
__scs_overlays_trampoline_lowered:
0x8: {  	[smem:$0x3FAE] =	sst s0  }
0x9: {  	[smem:$0x3FAF] =	sst s1  }
0xa: {  	[smem:$0x3FB0] =	sst s2  }
0xb: {  	[smem:$0x3FB1] =	sst s3  }
0xc: {  	[smem:$0x3FB2] =	sst s4  }
0xd: {  	[smem:$0x3FB3] =	sst s5  }
0xe: {  	[smem:$0x3FB4] =	sst s6  }
0xf: {  	[smem:$0x3FB5] =	sst s7  }
0x10: {  	[smem:$0x3FB6] =	sst s8  }
0x11: {  	[smem:$0x3FB7] =	sst s9;
	s0 =	simm.s32 @!p0 $0x0  }
0x12: {  	s1 =	sld [smem:$0x3F9D];
	s0 =	simm.s32 @p0 $0x1  }
0x13: {  	[smem:$0x3FB8] =	sst s0;
	s0 =	simm.s32 @!p1 $0x0  }
0x14: {  	s2 =	sld [smem:$0x3F9C];
	s0 =	simm.s32 @p1 $0x1  }
0x15: {  	[smem:$0x3FB9] =	sst s0;
	s0 =	simm.s32 @!p2 $0x0  }
0x16: {  	s3 =	sld [smem:$0x3FDB];
	s0 =	simm.s32 @p2 $0x1  }
0x17: {  	s4 =	simm.s32 $0x1BF5;
	[smem:$0x3FBB] =	sst s0  }
0x18: {  	s0 =	sld [smem:$0x3F9E];
	_ =	swait.ge [sflag:s4], $0x0  }
0x19: {  	s7 =	sld [smem:$0x3F9F]  }
0x1a: {  	s8 =	sadd.s32 $0xFFFFE003, lr  }
0x1b: {  	s9 =	sadd.s32 $0xFFFFFEF7, lr;
	s5 =	simm.s32 $0xFFFFFFFF;
	p2 =	slt.u32 s8, $0xFFFFF086  }
0x1c: {  	p1 =	slt.u32 s9, $0xF7A;
	s5 =	simm.s32 @!p2 $0x0  }
0x1d: {  	s5 =	simm.s32 @p1 $0x1;
	p0 =	seq.s32 s7, s2  }
0x1e: {  	s7 =	smul.u32 @!p0 $0xF7A, s2;
	p2 =	seq.s32 @!p0 s5, $0x0  }
0x1f: {  	s9 =	smul.u32 $0xF7A, s1;
	s8 =	simm.s32 @!p0 $0x1BF5;
	p2 =	por !p2, p0  }
0x20: {  	[sflag:s8] =	ssyncset.s32 @!p0 $0xFFFFF086;
	s6 =	sadd.s32 @!p0 s3, s7;
	s7 =	simm.s32 @!p0 $0x108  }
0x21: {  	s3 =	sadd.s32 s3, s9;
	s6 =	sadd.s32 @!p0 $0x88, s6;
	s7 =	simm.s32 @p2 $0x1082  }
0x22: {  	[simem:s7], [sflag:s8] =	dma.local @!p0 [hbm:s6], $0xF7A  }
0x23: {  	s9 =	sor.u32 $0xD0000000, s2;
	s6 =	simm.s32 $0x108;
	_ =	swait.ge @!p0 [sflag:s8], $0x0  }
0x24: {  	s3 =	sadd.s32 $0x88, s3;
	s6 =	simm.s32 @!p1 $0x1082;
	[sflag:s4] =	ssyncset.s32 $0xFFFFF086  }
0x25: {  	[simem:s6], [sflag:s4] =	dma.local [hbm:s3], $0xF7A  }
0x26: {  	[smem:$0x3F9F] =	sst s1;
	(tag) =	ssettag s2;
	_ =	strace s9  }
0x27: {  	s1 =	sld [smem:$0x3FAF]  }
0x28: {  	s2 =	sld [smem:$0x3FB0]  }
0x29: {  	s4 =	sld [smem:$0x3FB2]  }
0x2a: {  	p0 =	seq.s32 s5, $0x0;
	s5 =	sld [smem:$0x3FB3]  }
0x2b: {  	s6 =	sld [smem:$0x3FB4]  }
0x2c: {  	s7 =	sld [smem:$0x3FB5]  }
0x2d: {  	s3 =	simm.s32 $0x108;
	s8 =	sld [smem:$0x3FB6]  }
0x2e: {  	s3 =	simm.s32 @!p0 $0x1082;
	s9 =	sld [smem:$0x3FB7]  }
0x2f: {  	lr =	sadd.s32 s0, s3;
	s0 =	sld [smem:$0x3FAE]  }
0x30: {  	s3 =	sld [smem:$0x3FB1]  }
0x31: {  	[smem:$0x3FBA] =	sst s10  }
0x32: {  	s10 =	sld [smem:$0x3FB8];
	_ =	sdelay $0x3  }
0x33: {  	p0 =	seq.s32 s10, $0x1;
	s10 =	sld [smem:$0x3FBA];
	_ =	sdelay $0x3  }
0x34: {  	[smem:$0x3FBA] =	sst s10  }
0x35: {  	s10 =	sld [smem:$0x3FB9];
	_ =	sdelay $0x3  }
0x36: {  	p1 =	seq.s32 s10, $0x1;
	s10 =	sld [smem:$0x3FBA];
	_ =	sdelay $0x3  }
0x37: {  	[smem:$0x3FBA] =	sst s10  }
0x38: {  	s10 =	sld [smem:$0x3FBB]  }
0x39: {  	_ = 	snop;
	(pc) =	sbr.ind lr, $3  }
0x3a: {  	_ = 	snop  }
0x3b: {  	_ = 	snop  }
0x3c: {  	p2 =	seq.s32 s10, $0x1;
	s10 =	sld [smem:$0x3FBA]  }
0x3d: {  	_ =	shalt  }
0x3e: {  	_ =	shalt  }
0x3f: {  	_ =	shalt  }
0x40: {  	_ =	shalt  }
0x41: {  	_ =	shalt  }
0x42: {  	_ =	shalt  }
0x43: {  	_ =	shalt  }
0x44: {  	_ =	shalt  }
0x45: {  	_ =	shalt  }
0x46: {  	_ =	shalt  }
0x47: {  	_ =	shalt  }
0x48: {  	_ =	shalt  }
0x49: {  	_ =	shalt  }
0x4a: {  	_ =	shalt  }
0x4b: {  	_ =	shalt  }
0x4c: {  	_ =	shalt  }
0x4d: {  	_ =	shalt  }
0x4e: {  	_ =	shalt  }
0x4f: {  	_ =	shalt  }
0x50: {  	_ =	shalt  }
0x51: {  	_ =	shalt  }
0x52: {  	_ =	shalt  }
0x53: {  	_ =	shalt  }
0x54: {  	_ =	shalt  }
0x55: {  	_ =	shalt  }
0x56: {  	_ =	shalt  }
0x57: {  	_ =	shalt  }
0x58: {  	_ =	shalt  }
0x59: {  	_ =	shalt  }
0x5a: {  	_ =	shalt  }
0x5b: {  	_ =	shalt  }
0x5c: {  	_ =	shalt  }
0x5d: {  	_ =	shalt  }
0x5e: {  	_ =	shalt  }
0x5f: {  	_ =	shalt  }
0x60: {  	_ =	shalt  }
0x61: {  	_ =	shalt  }
0x62: {  	_ =	shalt  }
0x63: {  	_ =	shalt  }
0x64: {  	_ =	shalt  }
0x65: {  	_ =	shalt  }
0x66: {  	_ =	shalt  }
0x67: {  	_ =	shalt  }
0x68: {  	_ =	shalt  }
0x69: {  	_ =	shalt  }
0x6a: {  	_ =	shalt  }
0x6b: {  	_ =	shalt  }
0x6c: {  	_ =	shalt  }
0x6d: {  	_ =	shalt  }
0x6e: {  	_ =	shalt  }
0x6f: {  	_ =	shalt  }
0x70: {  	_ =	shalt  }
0x71: {  	_ =	shalt  }
0x72: {  	_ =	shalt  }
0x73: {  	_ =	shalt  }
0x74: {  	_ =	shalt  }
0x75: {  	_ =	shalt  }
0x76: {  	_ =	shalt  }
0x77: {  	_ =	shalt  }
0x78: {  	_ =	shalt  }
0x79: {  	_ =	shalt  }
0x7a: {  	_ =	shalt  }
0x7b: {  	_ =	shalt  }
0x7c: {  	_ =	shalt  }
0x7d: {  	_ =	shalt  }
0x7e: {  	_ =	shalt  }
0x7f: {  	_ =	shalt  }
0x80: {  	_ =	shalt  }
0x81: {  	_ =	shalt  }
0x82: {  	_ =	shalt  }
0x83: {  	_ =	shalt  }
0x84: {  	_ =	shalt  }
0x85: {  	_ =	shalt  }
0x86: {  	_ =	shalt  }
0x87: {  	_ =	shalt  }
.Lfunc_end0:
.L_simem_size_0:
called_computation_lowered:
.L_overlay_start_0:
0x88: {  	s2 =	sld [smem:$0x3FD9]  }
0x89: {  	s3 =	sld [smem:$0x3FFE];
	_ =	sdelay $0x1  }
0x8a: {  	s1 =	srdreg.scid  }
0x8b: {  	s0 =	sand.u32 $0x1, s1  }
0x8c: {  	s14 =	sshll.u32 s0, $0xA;
	s2 =	sadd.s32 s3, s2  }
0x8d: {  	s2 =	sadd.s32 s2, s14  }
0x8e: {  	[smem:$0x3FC6] =	sst s2  }
0x8f: {  	_ = 	snop  }
0x90: {  	s2 =	sld [smem:$0x3FD0];
	_ =	sdelay $0x2  }
0x91: {  	s15 =	simm.s32 $0xA;
	s4 =	simm.s32 $0x10  }
0x92: {  	[smem:s4], [sflag:s15] =	dma.local [hbm:s2], $0x1  }
0x93: {  	_ =	swait.eq [sflag:s15], $0x1  }
0x94: {  	[sflag:s15] =	ssyncset.done $0x0  }
0x95: {  	[sflag:s15] =	ssyncadd.s32 $0xFFFFFFFF  }
0x96: {  	s16 =	sld [smem:$0x10];
	(tm) =	ssettm $0x1  }
0x97: {  	s17 =	sld [smem:$0x3FFB];
	_ =	sdelay $0x3  }
0x98: {  	_ =	strace s17  }
0x99: {  	s3 =	sld [smem:$0x3FFC];
	_ =	sdelay $0x3  }
0x9a: {  	_ =	strace s3  }
0x9b: {  	s3 =	sld [smem:$0x3FFD];
	_ =	sdelay $0x3  }
0x9c: {  	_ =	strace s3  }
0x9d: {  	_ =	strace $0x8FFFFFFF  }
0x9e: {  	s18 =	sld [smem:$0x3FDB];
	_ =	sdelay $0x1  }
0x9f: {  	s19 =	simm.s32 $_scs_section_size  }
0xa0: {  	s5 =	simm.s32 $_size__tile_overlayer_lowered;
	s6 =	simm.s32 $_tile_overlayer_lowered  }
0xa1: {  	s22 =	simm.s32 $0x1BFF;
	s21 =	sshll.u32 s6, $0x1;
	s3 =	sadd.s32 s19, s18  }
0xa2: {  	s7 =	simm.s32 $0x0;
	s20 =	sshll.u32 s5, $0x1;
	s5 =	sadd.s32 s21, s3  }
0xa3: {  	[timem:s7], [sflag:s22] =	dma.local [hbm:s5], s20  }
0xa4: {  	_ =	swait.ge [sflag:s22], s20  }
0xa5: {  	s4 =	ssub.s32 $0x0, s20;
	[sflag:s22] =	ssyncset.done $0x0  }
0xa6: {  	[sflag:s22] =	ssyncadd.s32 s4;
	_ =	sdelay $0x1  }
0xa7: {  	s23 =	simm.s32 $0x1B8B  }
0xa8: {  	_ =	swait.ge [sflag:s23], $0x1  }
0xa9: {  	[sflag:s23] =	ssyncset.done $0x0  }
0xaa: {  	s25 =	simm.s32 $0x1B8E;
	s24 =	sld [smem:$0x3FFE];
	[sflag:s23] =	ssyncadd.s32 $0xFFFFFFFF  }
0xab: {  	s26 =	simm.s32 $execute0_lowered;
	[smem:$0x3FD2] =	sst s25  }
0xac: {  	s5 =	sshll.u32 s26, $0x1;
	_ =	strace $0x80000046;
	[dreg:$0x1] =	wrdreg $0xFFFFFFFF  }
0xad: {  	s28 =	simm.s32 $_size_execute0_lowered;
	s3 =	sadd.s32 s3, s5;
	[dreg:$0x0] =	wrdreg $0x0  }
0xae: {  	s5 =	sshll.u32 s28, $0x1;
	[dreg:$0x2] =	wrdreg s3  }
0xaf: {  	[dreg:$0x3] =	wrdreg s5  }
0xb0: {  	[dreg:$0x4] =	wrdreg $0xC0  }
0xb1: {  	_ =	task [dreg:s7], $0x5FFFF  }
0xb2: {  	[dreg:$0x1] =	wrdreg $0xFFFFFFFF  }
0xb3: {  	[dreg:$0x0] =	wrdreg $0x60  }
0xb4: {  	[dreg:$0x2] =	wrdreg s16  }
0xb5: {  	[dreg:$0x3] =	wrdreg s24  }
0xb6: {  	[dreg:$0x4] =	wrdreg $0x9  }
0xb7: {  	_ =	task.clear_ibuf [dreg:s7], $0x5FFFF;
	_ =	strace $0x90000046  }
0xb8: {  	s29 =	simm.s32 $0x9;
	_ =	strace $0x80000048  }
0xb9: {  	_ =	swait.ge [sflag:s29], $0x1  }
0xba: {  	[sflag:s29] =	ssyncadd.s32 $0xFFFFFFFF  }
0xbb: {  	_ =	strace $0x90000048  }
0xbc: {  	_ =	sfence  }
0xbd: {  	s30 =	sld [smem:$0x0];
	_ =	sdelay $0x2  }
0xbe: {  	s31 =	sshll.u32 s1, $0xD;
	s1 =	sshrl.u32 s1, $0x2  }
0xbf: {  	s3 =	sand.u32 $0x4000, s31;
	s1 =	sadd.s32 s1, s30  }
0xc0: {  	s0 =	sor.u32 s3, s0;
	s1 =	sshll.u32 s1, $0x11  }
0xc1: {  	s0 =	sor.u32 s1, s0  }
0xc2: {  	s0 =	sadd.s32 $0x8F2B, s0  }
0xc3: {  	[sflag:s0] =	ssyncadd.remote.s32 $0x1  }
0xc4: {  	_ =	sfence.sel $0xFFFF  }
0xc5: {  	[dreg:$0x0] =	wrdreg $0xFFFFFFFF;
	(pc) =	sbr.abs _section_cstart, $3  }
0xc6: {  	[dreg:$0x1] =	wrdreg $0xFFFFFFFF  }
0xc7: {  	_ =	task.clear_ibuf [dreg:s7], $0x2FFFF;
	_ =	strace $0x9FFFFFFF  }
0xc8: {  	(tm) =	ssettm $0x7FFFFFFF  }
0xc9: {  	_ =	shalt  }
tec
execute0_lowered:
.L_overlay_start_1:
0x0: {  	(tag) =	ssettag $0x1  }
0x1: {  	s1 =	srdreg.scid  }
0x2: {  	s0 =	stileid.u32;
	s26 =	sand.u32 $0x1, s1  }
0x3: {  	s31 =	sshll.u32 s0, $0xB;
	s3 =	sshll.u32 s26, $0xA  }
0x4: {  	s2 =	rddreg [dreg:$0x0];
	s11 =	sor.u32 s3, s31  }
0x5: {  	s10 =	rddreg [dreg:$0x1];
	s3 =	simm.s32 $0x0;
	s4 =	sshrl.u32 s11, $0x3  }
0x6: {  	s5 =	simm.s32 $0x3;
	[smem:$0x7FF] =	sst s3;
	s4 =	sadd.s32 s4, s10  }
0x7: {  	s1 =	rddreg [dreg:$0x2];
	_ =	strace $0x80000047;
	s4 =	sadd.s32 $0x800, s4  }
0x8: {  	[tilespmem:s3], [sflag:$0x3] =	stream.linear.gather [hbm4b:s4+s3], $0x400, $0x38;
	[tilespmem:$0xC400] =	vst v63  }
0x9: {  	_ =	swait.ge [sflag:s5], $0x400  }
0xa: {  	[sflag:s5] =	ssyncset.done $0x0  }
0xb: {  	s6 =	simm.s32 $0x80;
	s7 =	simm.s32 $0x400;
	[sflag:s5] =	ssyncadd.s32 $0xFFFFFC00  }
0xc: {  	[tilespmem:s7], [sflag:$0x1] =	stream.indirect.gather [hbm4b:s2+s6], $0x80, s3, s6, $0xb8;
	[tilespmem:$0xC400] =	vst v63  }
0xd: {  	s8 =	simm.s32 $0x4400;
	s9 =	simm.s32 $0x1  }
0xe: {  	[tilespmem:s8], [sflag:$0x1] =	stream.indirect.gather [hbm4b:s2+s6], $0x80, s6, s6, $0xb8;
	[tilespmem:$0xC400] =	vst v63  }
0xf: {  	s11 =	sshll.u32 s11, $0x4;
	_ =	swait.ge [sflag:s9], $0x4000  }
0x10: {  	s25 =	sadd.s32 s11, s10;
	[sflag:s9] =	ssyncset.done $0x0  }
0x11: {  	s10 =	sadd.s32 $0x1800, s25;
	[sflag:s9] =	ssyncadd.s32 $0xFFFFC000  }
0x12: {  	[hbm4b:s10+s3] =	stream.linear.scatter [tilespmem:s7], [sflag:$0x2], $0x4000, $0x38;
	[tilespmem:$0xC400] =	vst v63  }
0x13: {  	s12 =	simm.s32 $0x8400;
	s11 =	simm.s32 $0x100  }
0x14: {  	[tilespmem:s12], [sflag:$0x1] =	stream.indirect.gather [hbm4b:s2+s6], $0x80, s11, s6, $0xb8;
	[tilespmem:$0xC400] =	vst v63  }
0x15: {  	_ =	swait.ge [sflag:s9], $0x4000  }
0x16: {  	[sflag:s9] =	ssyncset.done $0x0  }
0x17: {  	s13 =	simm.s32 $0x2;
	s14 =	sadd.s32 $0x2000, s25;
	[sflag:s9] =	ssyncadd.s32 $0xFFFFC000  }
0x18: {  	[hbm4b:s14+s3] =	stream.linear.scatter [tilespmem:s8], [sflag:$0x2], $0x4000, $0x38;
	[tilespmem:$0xC400] =	vst v63  }
0x19: {  	_ =	swait.ge [sflag:s13], $0x4000  }
0x1a: {  	[sflag:s13] =	ssyncset.done $0x0  }
0x1b: {  	s15 =	simm.s32 $0x180;
	[sflag:s13] =	ssyncadd.s32 $0xFFFFC000  }
0x1c: {  	[tilespmem:s7], [sflag:$0x1] =	stream.indirect.gather [hbm4b:s2+s6], $0x80, s15, s6, $0xb8;
	[tilespmem:$0xC400] =	vst v63  }
0x1d: {  	_ =	swait.ge [sflag:s9], $0x4000  }
0x1e: {  	[sflag:s9] =	ssyncset.done $0x0  }
0x1f: {  	s16 =	sadd.s32 $0x2800, s25;
	[sflag:s9] =	ssyncadd.s32 $0xFFFFC000  }
0x20: {  	[hbm4b:s16+s3] =	stream.linear.scatter [tilespmem:s12], [sflag:$0x2], $0x4000, $0x38;
	[tilespmem:$0xC400] =	vst v63  }
0x21: {  	_ =	swait.ge [sflag:s13], $0x4000  }
0x22: {  	[sflag:s13] =	ssyncset.done $0x0  }
0x23: {  	s17 =	simm.s32 $0x200;
	[sflag:s13] =	ssyncadd.s32 $0xFFFFC000  }
0x24: {  	[tilespmem:s8], [sflag:$0x1] =	stream.indirect.gather [hbm4b:s2+s6], $0x80, s17, s6, $0xb8;
	[tilespmem:$0xC400] =	vst v63  }
0x25: {  	_ =	swait.ge [sflag:s9], $0x4000  }
0x26: {  	[sflag:s9] =	ssyncset.done $0x0  }
0x27: {  	s18 =	sadd.s32 $0x3000, s25;
	[sflag:s9] =	ssyncadd.s32 $0xFFFFC000  }
0x28: {  	[hbm4b:s18+s3] =	stream.linear.scatter [tilespmem:s7], [sflag:$0x2], $0x4000, $0x38;
	[tilespmem:$0xC400] =	vst v63  }
0x29: {  	_ =	swait.ge [sflag:s13], $0x4000  }
0x2a: {  	[sflag:s13] =	ssyncset.done $0x0  }
0x2b: {  	s19 =	simm.s32 $0x280;
	[sflag:s13] =	ssyncadd.s32 $0xFFFFC000  }
0x2c: {  	[tilespmem:s12], [sflag:$0x1] =	stream.indirect.gather [hbm4b:s2+s6], $0x80, s19, s6, $0xb8;
	[tilespmem:$0xC400] =	vst v63  }
0x2d: {  	_ =	swait.ge [sflag:s9], $0x4000  }
0x2e: {  	[sflag:s9] =	ssyncset.done $0x0  }
0x2f: {  	s20 =	sadd.s32 $0x3800, s25;
	[sflag:s9] =	ssyncadd.s32 $0xFFFFC000  }
0x30: {  	[hbm4b:s20+s3] =	stream.linear.scatter [tilespmem:s8], [sflag:$0x2], $0x4000, $0x38;
	[tilespmem:$0xC400] =	vst v63  }
0x31: {  	_ =	swait.ge [sflag:s13], $0x4000  }
0x32: {  	[sflag:s13] =	ssyncset.done $0x0  }
0x33: {  	s21 =	simm.s32 $0x300;
	[sflag:s13] =	ssyncadd.s32 $0xFFFFC000  }
0x34: {  	[tilespmem:s7], [sflag:$0x1] =	stream.indirect.gather [hbm4b:s2+s6], $0x80, s21, s6, $0xb8;
	[tilespmem:$0xC400] =	vst v63  }
0x35: {  	_ =	swait.ge [sflag:s9], $0x4000  }
0x36: {  	[sflag:s9] =	ssyncset.done $0x0  }
0x37: {  	s22 =	sadd.s32 $0x4000, s25;
	[sflag:s9] =	ssyncadd.s32 $0xFFFFC000  }
0x38: {  	[hbm4b:s22+s3] =	stream.linear.scatter [tilespmem:s12], [sflag:$0x2], $0x4000, $0x38;
	[tilespmem:$0xC400] =	vst v63  }
0x39: {  	_ =	swait.ge [sflag:s13], $0x4000  }
0x3a: {  	[sflag:s13] =	ssyncset.done $0x0  }
0x3b: {  	s23 =	simm.s32 $0x380;
	[sflag:s13] =	ssyncadd.s32 $0xFFFFC000  }
0x3c: {  	[tilespmem:s8], [sflag:$0x1] =	stream.indirect.gather [hbm4b:s2+s6], $0x80, s23, s6, $0xb8;
	[tilespmem:$0xC400] =	vst v63  }
0x3d: {  	_ =	swait.ge [sflag:s9], $0x4000  }
0x3e: {  	[sflag:s9] =	ssyncset.done $0x0  }
0x3f: {  	s24 =	sadd.s32 $0x4800, s25;
	[sflag:s9] =	ssyncadd.s32 $0xFFFFC000  }
0x40: {  	[hbm4b:s24+s3] =	stream.linear.scatter [tilespmem:s7], [sflag:$0x2], $0x4000, $0x38;
	[tilespmem:$0xC400] =	vst v63  }
0x41: {  	_ =	swait.ge [sflag:s9], $0x4000  }
0x42: {  	s26 =	ssub.s32 $0x2, s26;
	[sflag:s9] =	ssyncset.done $0x0  }
0x43: {  	s28 =	sshrl.u32 s26, $0x1;
	s25 =	sadd.s32 $0x5000, s25;
	[sflag:s9] =	ssyncadd.s32 $0xFFFFC000  }
0x44: {  	[hbm4b:s25+s3] =	stream.linear.scatter [tilespmem:s8], [sflag:$0x2], $0x4000, $0x38;
	[tilespmem:$0xC400] =	vst v63  }
0x45: {  	s26 =	ssub.s32 s26, s28;
	_ =	swait.ge [sflag:s13], $0x4000  }
0x46: {  	s26 =	smax.u32 s26, $0x1;
	[sflag:s13] =	ssyncset.done $0x0  }
0x47: {  	p0 =	sne.s32 s26, $0x1;
	[sflag:s13] =	ssyncadd.s32 $0xFFFFC000  }
.Ltmp0:
0x48: {  	_ =	swait.ge [sflag:s13], $0x4000;
	(pc) =	sbr.rel @!p0 .LBB2_2-.Ltmp0, $4  }
0x49: {  	[sflag:s13] =	ssyncset.done $0x0  }
0x4a: {  	[sflag:s13] =	ssyncadd.s32 $0xFFFFC000  }
0x4b: {  	_ =	swait.ge [sflag:s13], $0x4000  }
0x4c: {  	s26 =	sadd.s32 $0xFFFFFFFF, s26;
	[sflag:s13] =	ssyncset.done $0x0  }
.LBB2_1:
0x4d: {  	p0 =	sne.s32 s26, $0x1;
	s26 =	sadd.s32 $0xFFFFFFFF, s26;
	[sflag:s13] =	ssyncadd.s32 $0xFFFFC000  }
0x4e: {  	[tilespmem:s3], [sflag:$0x3] =	stream.linear.gather [hbm4b:s4+s3], $0x400, $0x38;
	[tilespmem:$0xC400] =	vst v63  }
0x4f: {  	_ =	swait.ge [sflag:s5], $0x400  }
0x50: {  	[sflag:s5] =	ssyncset.done $0x0  }
0x51: {  	[sflag:s5] =	ssyncadd.s32 $0xFFFFFC00  }
0x52: {  	[tilespmem:s7], [sflag:$0x1] =	stream.indirect.gather [hbm4b:s2+s6], $0x80, s3, s6, $0xb8;
	[tilespmem:$0xC400] =	vst v63  }
0x53: {  	_ = 	snop  }
0x54: {  	[tilespmem:s8], [sflag:$0x1] =	stream.indirect.gather [hbm4b:s2+s6], $0x80, s6, s6, $0xb8;
	[tilespmem:$0xC400] =	vst v63  }
0x55: {  	_ =	swait.ge [sflag:s9], $0x4000  }
0x56: {  	[sflag:s9] =	ssyncset.done $0x0  }
0x57: {  	[sflag:s9] =	ssyncadd.s32 $0xFFFFC000  }
0x58: {  	[hbm4b:s10+s3] =	stream.linear.scatter [tilespmem:s7], [sflag:$0x2], $0x4000, $0x38;
	[tilespmem:$0xC400] =	vst v63  }
0x59: {  	_ = 	snop  }
0x5a: {  	[tilespmem:s12], [sflag:$0x1] =	stream.indirect.gather [hbm4b:s2+s6], $0x80, s11, s6, $0xb8;
	[tilespmem:$0xC400] =	vst v63  }
0x5b: {  	_ =	swait.ge [sflag:s9], $0x4000  }
0x5c: {  	[sflag:s9] =	ssyncset.done $0x0  }
0x5d: {  	[sflag:s9] =	ssyncadd.s32 $0xFFFFC000  }
0x5e: {  	[hbm4b:s14+s3] =	stream.linear.scatter [tilespmem:s8], [sflag:$0x2], $0x4000, $0x38;
	[tilespmem:$0xC400] =	vst v63  }
0x5f: {  	_ =	swait.ge [sflag:s13], $0x4000  }
0x60: {  	[sflag:s13] =	ssyncset.done $0x0  }
0x61: {  	[sflag:s13] =	ssyncadd.s32 $0xFFFFC000  }
0x62: {  	[tilespmem:s7], [sflag:$0x1] =	stream.indirect.gather [hbm4b:s2+s6], $0x80, s15, s6, $0xb8;
	[tilespmem:$0xC400] =	vst v63  }
0x63: {  	_ =	swait.ge [sflag:s9], $0x4000  }
0x64: {  	[sflag:s9] =	ssyncset.done $0x0  }
0x65: {  	[sflag:s9] =	ssyncadd.s32 $0xFFFFC000  }
0x66: {  	[hbm4b:s16+s3] =	stream.linear.scatter [tilespmem:s12], [sflag:$0x2], $0x4000, $0x38;
	[tilespmem:$0xC400] =	vst v63  }
0x67: {  	_ =	swait.ge [sflag:s13], $0x4000  }
0x68: {  	[sflag:s13] =	ssyncset.done $0x0  }
0x69: {  	[sflag:s13] =	ssyncadd.s32 $0xFFFFC000  }
0x6a: {  	[tilespmem:s8], [sflag:$0x1] =	stream.indirect.gather [hbm4b:s2+s6], $0x80, s17, s6, $0xb8;
	[tilespmem:$0xC400] =	vst v63  }
0x6b: {  	_ =	swait.ge [sflag:s9], $0x4000  }
0x6c: {  	[sflag:s9] =	ssyncset.done $0x0  }
0x6d: {  	[sflag:s9] =	ssyncadd.s32 $0xFFFFC000  }
0x6e: {  	[hbm4b:s18+s3] =	stream.linear.scatter [tilespmem:s7], [sflag:$0x2], $0x4000, $0x38;
	[tilespmem:$0xC400] =	vst v63  }
0x6f: {  	_ =	swait.ge [sflag:s13], $0x4000  }
0x70: {  	[sflag:s13] =	ssyncset.done $0x0  }
0x71: {  	[sflag:s13] =	ssyncadd.s32 $0xFFFFC000  }
0x72: {  	[tilespmem:s12], [sflag:$0x1] =	stream.indirect.gather [hbm4b:s2+s6], $0x80, s19, s6, $0xb8;
	[tilespmem:$0xC400] =	vst v63  }
0x73: {  	_ =	swait.ge [sflag:s9], $0x4000  }
0x74: {  	[sflag:s9] =	ssyncset.done $0x0  }
0x75: {  	[sflag:s9] =	ssyncadd.s32 $0xFFFFC000  }
0x76: {  	[hbm4b:s20+s3] =	stream.linear.scatter [tilespmem:s8], [sflag:$0x2], $0x4000, $0x38;
	[tilespmem:$0xC400] =	vst v63  }
0x77: {  	_ =	swait.ge [sflag:s13], $0x4000  }
0x78: {  	[sflag:s13] =	ssyncset.done $0x0  }
0x79: {  	[sflag:s13] =	ssyncadd.s32 $0xFFFFC000  }
0x7a: {  	[tilespmem:s7], [sflag:$0x1] =	stream.indirect.gather [hbm4b:s2+s6], $0x80, s21, s6, $0xb8;
	[tilespmem:$0xC400] =	vst v63  }
0x7b: {  	_ =	swait.ge [sflag:s9], $0x4000  }
0x7c: {  	[sflag:s9] =	ssyncset.done $0x0  }
0x7d: {  	[sflag:s9] =	ssyncadd.s32 $0xFFFFC000  }
0x7e: {  	[hbm4b:s22+s3] =	stream.linear.scatter [tilespmem:s12], [sflag:$0x2], $0x4000, $0x38;
	[tilespmem:$0xC400] =	vst v63  }
0x7f: {  	_ =	swait.ge [sflag:s13], $0x4000  }
0x80: {  	[sflag:s13] =	ssyncset.done $0x0  }
0x81: {  	[sflag:s13] =	ssyncadd.s32 $0xFFFFC000  }
0x82: {  	[tilespmem:s8], [sflag:$0x1] =	stream.indirect.gather [hbm4b:s2+s6], $0x80, s23, s6, $0xb8;
	[tilespmem:$0xC400] =	vst v63  }
0x83: {  	_ =	swait.ge [sflag:s9], $0x4000  }
0x84: {  	[sflag:s9] =	ssyncset.done $0x0  }
0x85: {  	[sflag:s9] =	ssyncadd.s32 $0xFFFFC000  }
0x86: {  	[hbm4b:s24+s3] =	stream.linear.scatter [tilespmem:s7], [sflag:$0x2], $0x4000, $0x38;
	[tilespmem:$0xC400] =	vst v63  }
0x87: {  	_ =	swait.ge [sflag:s9], $0x4000  }
0x88: {  	[sflag:s9] =	ssyncset.done $0x0  }
0x89: {  	[sflag:s9] =	ssyncadd.s32 $0xFFFFC000  }
0x8a: {  	[hbm4b:s25+s3] =	stream.linear.scatter [tilespmem:s8], [sflag:$0x2], $0x4000, $0x38;
	[tilespmem:$0xC400] =	vst v63  }
0x8b: {  	_ =	swait.ge [sflag:s13], $0x4000  }
0x8c: {  	[sflag:s13] =	ssyncset.done $0x0  }
0x8d: {  	[sflag:s13] =	ssyncadd.s32 $0xFFFFC000  }
.Ltmp1:
0x8e: {  	_ =	swait.ge [sflag:s13], $0x4000;
	(pc) =	sbr.rel @p0 .LBB2_1-.Ltmp1, $4  }
0x8f: {  	[sflag:s13] =	ssyncset.done $0x0  }
0x90: {  	[sflag:s13] =	ssyncadd.s32 $0xFFFFC000  }
0x91: {  	_ =	swait.ge [sflag:s13], $0x4000  }
0x92: {  	[sflag:s13] =	ssyncset.done $0x0  }
.LBB2_2:
0x93: {  	[sflag:s13] =	ssyncadd.s32 $0xFFFFC000  }
0x94: {  	_ =	sfence.sel $0x180000  }
0x95: {  	[bflag:$0x0] =	sbarrier.arrive $0xFFFF  }
0x96: {  	p0 =	sne.s32 s0, $0x0;
	_ =	strace $0x90000047  }
0x97: {  	s0 =	sadd.s32 @!p0 $0x100000, s1;
	[bflag:$0x2] =	sbarrier.arrive $0xFFFF  }
0x98: {  	[sflag:s0] =	ssyncadd.tile.s32 @!p0 $0x1;
	_ =	shalt  }
.Lfunc_end2:
_tile_overlayer_lowered:
.L_overlay_start_2:
0x99: {  	(tag) =	ssettag $0x2  }
0x9a: {  	s0 =	rddreg [dreg:$0x0];
	s2 =	stileid.u32  }
0x9b: {  	s1 =	rddreg [dreg:$0x1];
	p0 =	sne.s32 s2, $0x0  }
0x9c: {  	s3 =	rddreg [dreg:$0x2];
	[bflag:$0x3] =	sbarrier.arrive $0xFFFF;
	s2 =	simm.s32 @!p0 $0x1C03  }
0x9d: {  	[timem:s3], [sflag:s2] =	dma.local @!p0 [hbm:s0], s1  }
0x9e: {  	s0 =	simm.s32 @!p0 $0x3  }
0x9f: {  	_ =	swait.ge @!p0 [sflag:s0], s1  }
0xa0: {  	s1 =	ssub.s32 @!p0 $0x0, s1;
	[sflag:s0] =	ssyncset.done @!p0 $0x0  }
0xa1: {  	[sflag:s0] =	ssyncadd.s32 @!p0 s1  }
0xa2: {  	[bflag:$0x3] =	sbarrier.arrive $0xFFFF  }
0xa3: {  	_ =	shalt  }

</sc_bundles>
